<compile_context>
chip_gen: v7x
topology: tpu7x:2x2x1
jax: 0.10.2.dev20260603
libtpu: 0.0.44.dev20260713+nightly
codegen_flags: <defaults>
</compile_context>

<pallas_src>
import functools

import jax
import jax.numpy as jnp
from jax import lax
from jax.experimental import pallas as pl
from jax.experimental.pallas import tpu as pltpu
from jax.experimental.pallas import tpu_sc as plsc

_K = 8
_NEG = -3.0e38



def _logits_body3d(x_ref, w_ref, logits_ref):
    logits_ref[...] = lax.dot_general(
        x_ref[0], w_ref[...],
        dimension_numbers=(((1,), (1,)), ((), ())),
        preferred_element_type=jnp.float32)[None]


def _logits_tc(x3d, centroids):
    b, s, h = x3d.shape
    e_dim = centroids.shape[0]
    bm = 1024
    nbs = s // bm
    return pl.pallas_call(
        _logits_body3d,
        grid=(b * nbs,),
        in_specs=[
            pl.BlockSpec((1, bm, h), lambda i: (i // nbs, i % nbs, 0)),
            pl.BlockSpec((e_dim, h), lambda i: (0, 0)),
        ],
        out_specs=pl.BlockSpec((1, bm, e_dim), lambda i: (i // nbs, i % nbs, 0)),
        out_shape=jax.ShapeDtypeStruct((b, s, e_dim), jnp.float32),
        compiler_params=pltpu.CompilerParams(
            dimension_semantics=("parallel",)),
    )(x3d, centroids)



def _make_routing_sc(b, s, e_dim):
    n = b * s
    info = plsc.get_sparse_core_info()
    nc, ns, lanes = info.num_cores, info.num_subcores, info.num_lanes
    nw = nc * ns
    assert n % (nw * lanes) == 0 and e_dim % lanes == 0
    c_per = n // nw
    assert s % c_per == 0
    ngroups = c_per // lanes
    mesh = plsc.VectorSubcoreMesh(core_axis_name="c", subcore_axis_name="s")

    @functools.partial(
        pl.kernel,
        mesh=mesh,
        out_type=[
            jax.ShapeDtypeStruct((b, s, e_dim), jnp.float32),
            jax.ShapeDtypeStruct((b, s, _K), jnp.int32),
        ],
        scratch_types=[
            pltpu.VMEM((c_per, e_dim), jnp.float32),
            pltpu.VMEM((c_per, e_dim), jnp.float32),
            pltpu.VMEM((c_per, _K), jnp.int32),
            pltpu.SemaphoreType.DMA,
        ],
        compiler_params=pltpu.CompilerParams(needs_layout_passes=False),
    )
    def routing(logits_hbm, gate_hbm, idx_hbm, lg_v, gate_v, idx_v, sem):
        wid = lax.axis_index("s") * nc + lax.axis_index("c")
        base = wid * c_per
        bi = base // s
        so = base % s
        copy = pltpu.async_copy(
            logits_hbm.at[bi, pl.ds(so, c_per)], lg_v, sem)

        nchunk = e_dim // lanes

        def zero_body(r, carry):
            for cch in range(nchunk):
                gate_v[r, pl.ds(cch * lanes, lanes)] = (
                    jnp.zeros((lanes,), jnp.float32))
            return carry
        lax.fori_loop(0, c_per, zero_body, 0, unroll=4)

        copy.wait()

        lane_iota = jnp.arange(lanes, dtype=jnp.int32)
        ninter = 2

        def group_body(g, carry):
            rows = [(ninter * g + t) * lanes + lane_iota for t in range(ninter)]

            def ins_body(e, st):
                out = []
                for t in range(ninter):
                    v = list(st[2 * _K * t:2 * _K * t + _K])
                    ix = list(st[2 * _K * t + _K:2 * _K * (t + 1)])
                    col = jnp.full((lanes,), e, jnp.int32)
                    val = plsc.load_gather(lg_v, [rows[t], col])
                    c = [val > v[j] for j in range(_K)]
                    nv = [jnp.where(c[0], val, v[0])]
                    ni = [jnp.where(c[0], col, ix[0])]
                    for j in range(1, _K):
                        nv.append(jnp.where(c[j - 1], v[j - 1],
                                            jnp.where(c[j], val, v[j])))
                        ni.append(jnp.where(c[j - 1], ix[j - 1],
                                            jnp.where(c[j], col, ix[j])))
                    out.extend(nv + ni)
                return tuple(out)

            neg = jnp.full((lanes,), _NEG, jnp.float32)
            zero_i = jnp.zeros((lanes,), jnp.int32)
            st = lax.fori_loop(
                0, e_dim, ins_body,
                (*([neg] * _K), *([zero_i] * _K)) * ninter,
                unroll=8)

            for t in range(ninter):
                v = st[2 * _K * t:2 * _K * t + _K]
                ix = st[2 * _K * t + _K:2 * _K * (t + 1)]
                m = v[0]

                exps = [jnp.exp(v[j] - m) for j in range(_K)]
                t_sum = exps[0]
                for j in range(1, _K):
                    t_sum = t_sum + exps[j]
                denom = t_sum

                for j in range(_K):
                    plsc.store_scatter(gate_v, [rows[t], ix[j]],
                                       exps[j] / denom)
                    plsc.store_scatter(
                        idx_v, [rows[t], jnp.full((lanes,), j, jnp.int32)],
                        ix[j])
            return carry

        lax.fori_loop(0, ngroups // ninter, group_body, 0)

        pltpu.sync_copy(gate_v, gate_hbm.at[bi, pl.ds(so, c_per)])
        pltpu.sync_copy(idx_v, idx_hbm.at[bi, pl.ds(so, c_per)])

    return routing



def kernel(hidden_states, expert_centroids):
    b, s, h = hidden_states.shape
    e_dim = expert_centroids.shape[0]
    logits = _logits_tc(hidden_states, expert_centroids)
    gate, idx = _make_routing_sc(b, s, e_dim)(logits)
    return (gate, idx, logits)

# --- scband reference (transcript-rebuilt; emitter-appended) ---
"""Pipeline reference for scband-top-krouter-6219112645446 (READ-ONLY COPY).

The authoritative reference and input builder live on the scoring server;
editing this copy changes nothing except your own understanding.
"""

import jax, jax.numpy as jnp
import numpy as np

B, S, H, E, K = 2, 4096, 2048, 64, 8


def setup_inputs(seed: int = 0) -> dict:
    key = jax.random.key(seed)
    k1, k2 = jax.random.split(key)
    hidden_states = jax.random.normal(k1, (B, S, H), dtype=jnp.float32)
    # kaiming_uniform_(a=sqrt(5)) on (E, H): bound = sqrt(6 / ((1 + 5) * fan_in)) = 1/sqrt(fan_in)
    bound = 1.0 / np.sqrt(H)
    expert_centroids = jax.random.uniform(k2, (E, H), minval=-bound, maxval=bound, dtype=jnp.float32)
    return {"hidden_states": hidden_states, "expert_centroids": expert_centroids}


def reference(hidden_states, expert_centroids):
    # router_logits = hidden_states @ expert_centroids.T  -> (B, S, E)
    router_logits = jnp.einsum('bsh,eh->bse', hidden_states, expert_centroids)
    router_probs = jax.nn.softmax(router_logits, axis=-1)
    top_k_weights, top_k_indices = jax.lax.top_k(router_probs, K)
    # normalize_expert_weights=True
    top_k_weights = top_k_weights / (jnp.sum(top_k_weights, axis=-1, keepdims=True) + 1e-09)
    # scatter top-k weights back into dense gate tensor (scatter-overwrite)
    gate_weights = jnp.zeros_like(router_probs)
    b_idx = jnp.arange(B)[:, None, None]
    s_idx = jnp.arange(S)[None, :, None]
    gate_weights = gate_weights.at[b_idx, s_idx, top_k_indices].set(top_k_weights)
    return gate_weights, top_k_indices, router_logits

if __name__ == "__main__":
    import jax
    _d = setup_inputs()
    print(jax.jit(kernel)(*tuple(_d.values())))

</pallas_src>

<mosaic_0001>
#map = affine_map<(d0, d1) -> (0, 0, 0)>
module attributes {stable_mosaic.version = 14 : i64} {
  func.func @routing(%arg0: i32, %arg1: i32, %arg2: memref<2x4096x64xf32, #tpu.memory_space<hbm>>, %arg3: memref<2x4096x64xf32, #tpu.memory_space<hbm>>, %arg4: memref<2x4096x8xi32, #tpu.memory_space<hbm>>, %arg5: memref<256x64xf32, #tpu.memory_space<vmem>>, %arg6: memref<256x64xf32, #tpu.memory_space<vmem>>, %arg7: memref<256x8xi32, #tpu.memory_space<vmem>>, %arg8: memref<!tpu.dma_semaphore, #tpu.memory_space<semaphore_mem>>) attributes {dimension_semantics = [#tpu.dimension_semantics<core_parallel>, #tpu.dimension_semantics<subcore_parallel>], iteration_bounds = array<i64: 2, 16>, scalar_prefetch = 0 : i64, scratch_operands = 4 : i64, tpu.core_type = #tpu.core_type<sc_vector_subcore>, window_params = [{transform_indices = #map}, {transform_indices = #map}, {transform_indices = #map}]} {
    %mul3A = arith.constant 2 : i32
    %mul3A_0 = arith.muli %arg1, %mul3A : i32
    %add3A = arith.addi %mul3A_0, %arg0 : i32
    %mul3A_1 = arith.constant 256 : i32
    %mul3A_2 = arith.muli %add3A, %mul3A_1 : i32
    %jit3A = arith.constant 4096 : i32
    %div3A = arith.divsi %mul3A_2, %jit3A : i32
    %sign3A = arith.constant 0 : i32
    %sign3A_3 = arith.cmpi sgt, %mul3A_2, %sign3A : i32
    %sign3A_4 = arith.extui %sign3A_3 : i1 to i32
    %sign3A_5 = arith.constant 0 : i32
    %sign3A_6 = arith.cmpi slt, %mul3A_2, %sign3A_5 : i32
    %sign3A_7 = arith.extui %sign3A_6 : i1 to i32
    %sign3A_8 = arith.subi %sign3A_4, %sign3A_7 : i32
    %sign3A_9 = arith.constant 0 : i32
    %sign3A_10 = arith.cmpi sgt, %jit3A, %sign3A_9 : i32
    %sign3A_11 = arith.extui %sign3A_10 : i1 to i32
    %sign3A_12 = arith.constant 0 : i32
    %sign3A_13 = arith.cmpi slt, %jit3A, %sign3A_12 : i32
    %sign3A_14 = arith.extui %sign3A_13 : i1 to i32
    %sign3A_15 = arith.subi %sign3A_11, %sign3A_14 : i32
    %ne3A = arith.cmpi ne, %sign3A_8, %sign3A_15 : i32
    %rem3A = arith.remsi %mul3A_2, %jit3A : i32
    %ne3A_16 = arith.constant 0 : i32
    %ne3A_17 = arith.cmpi ne, %rem3A, %ne3A_16 : i32
    %and3A = arith.andi %ne3A, %ne3A_17 : i1
    %sub3A = arith.constant 1 : i32
    %sub3A_18 = arith.subi %div3A, %sub3A : i32
    %select_n3A = arith.select %and3A, %sub3A_18, %div3A : i32
    %jit3A_19 = arith.constant 4096 : i32
    %eq3A = arith.constant 0 : i32
    %eq3A_20 = arith.cmpi eq, %jit3A_19, %eq3A : i32
    %jit3A_21 = arith.constant 1 : i32
    %select_n3A_22 = arith.select %eq3A_20, %jit3A_21, %jit3A_19 : i32
    %rem3A_23 = arith.remsi %mul3A_2, %select_n3A_22 : i32
    %ne3A_24 = arith.constant 0 : i32
    %ne3A_25 = arith.cmpi ne, %rem3A_23, %ne3A_24 : i32
    %lt3A = arith.constant 0 : i32
    %lt3A_26 = arith.cmpi slt, %rem3A_23, %lt3A : i32
    %lt3A_27 = arith.constant 0 : i32
    %lt3A_28 = arith.cmpi slt, %select_n3A_22, %lt3A_27 : i32
    %ne3A_29 = arith.xori %lt3A_26, %lt3A_28 : i1
    %and3A_30 = arith.andi %ne3A_29, %ne3A_25 : i1
    %add3A_31 = arith.addi %rem3A_23, %select_n3A_22 : i32
    %select_n3A_32 = arith.select %and3A_30, %add3A_31, %rem3A_23 : i32
    %dma_start3A = arith.constant 0 : i32
    %dma_start3A_33 = tpu.memref_slice %arg2[%select_n3A, %select_n3A_32, %dma_start3A] : memref<2x4096x64xf32, #tpu.memory_space<hbm>> -> memref<1x256x64xf32, #tpu.memory_space<hbm>>
    %dma_start3A_34 = tpu.memref_squeeze %dma_start3A_33 : memref<1x256x64xf32, #tpu.memory_space<hbm>> -> memref<256x64xf32, #tpu.memory_space<hbm>>
    %dma_start3A_35 = arith.constant 0 : i32
    %dma_start3A_36 = tpu.memref_slice %arg2[%select_n3A, %select_n3A_32, %dma_start3A_35] : memref<2x4096x64xf32, #tpu.memory_space<hbm>> -> memref<1x256x64xf32, #tpu.memory_space<hbm>>
    %dma_start3A_37 = tpu.memref_squeeze %dma_start3A_36 : memref<1x256x64xf32, #tpu.memory_space<hbm>> -> memref<256x64xf32, #tpu.memory_space<hbm>>
    tpu.enqueue_dma source(%dma_start3A_37 : memref<256x64xf32, #tpu.memory_space<hbm>>) target(%arg5 : memref<256x64xf32, #tpu.memory_space<vmem>>) target_semaphore(%arg8 : memref<!tpu.dma_semaphore, #tpu.memory_space<semaphore_mem>>)
    %scan3A = arith.constant 0 : i32
    %scan3A_38 = arith.constant 0 : i32
    %scan3A_39 = arith.constant 256 : i32
    %scan3A_40 = arith.addi %scan3A_38, %scan3A_39 : i32
    %scan3A_41 = arith.constant 4 : i32
    scf.for %scan3A_54 = %scan3A_38 to %scan3A_40 step %scan3A_41  : i32 {
      %broadcast_in_dim3A = arith.constant 0.000000e+00 : f32
      %broadcast_in_dim3A_55 = vector.broadcast %broadcast_in_dim3A : f32 to vector<16xf32>
      %swap3A = arith.index_cast %scan3A_54 : i32 to index
      %swap3A_56 = arith.constant 0 : index
      %swap3A_57 = tpu.vector_load %arg6[%swap3A, %swap3A_56] {strides = array<i32>} : memref<256x64xf32, #tpu.memory_space<vmem>>, vector<16xf32>,
      tpu.vector_store %arg6[%swap3A, %swap3A_56], %broadcast_in_dim3A_55 {strides = array<i32>} : memref<256x64xf32, #tpu.memory_space<vmem>>, vector<16xf32>,
      %broadcast_in_dim3A_58 = arith.constant 0.000000e+00 : f32
      %broadcast_in_dim3A_59 = vector.broadcast %broadcast_in_dim3A_58 : f32 to vector<16xf32>
      %swap3A_60 = arith.index_cast %scan3A_54 : i32 to index
      %swap3A_61 = arith.constant 16 : index
      %swap3A_62 = tpu.vector_load %arg6[%swap3A_60, %swap3A_61] {strides = array<i32>} : memref<256x64xf32, #tpu.memory_space<vmem>>, vector<16xf32>,
      tpu.vector_store %arg6[%swap3A_60, %swap3A_61], %broadcast_in_dim3A_59 {strides = array<i32>} : memref<256x64xf32, #tpu.memory_space<vmem>>, vector<16xf32>,
      %broadcast_in_dim3A_63 = arith.constant 0.000000e+00 : f32
      %broadcast_in_dim3A_64 = vector.broadcast %broadcast_in_dim3A_63 : f32 to vector<16xf32>
      %swap3A_65 = arith.index_cast %scan3A_54 : i32 to index
      %swap3A_66 = arith.constant 32 : index
      %swap3A_67 = tpu.vector_load %arg6[%swap3A_65, %swap3A_66] {strides = array<i32>} : memref<256x64xf32, #tpu.memory_space<vmem>>, vector<16xf32>,
      tpu.vector_store %arg6[%swap3A_65, %swap3A_66], %broadcast_in_dim3A_64 {strides = array<i32>} : memref<256x64xf32, #tpu.memory_space<vmem>>, vector<16xf32>,
      %broadcast_in_dim3A_68 = arith.constant 0.000000e+00 : f32
      %broadcast_in_dim3A_69 = vector.broadcast %broadcast_in_dim3A_68 : f32 to vector<16xf32>
      %swap3A_70 = arith.index_cast %scan3A_54 : i32 to index
      %swap3A_71 = arith.constant 48 : index
      %swap3A_72 = tpu.vector_load %arg6[%swap3A_70, %swap3A_71] {strides = array<i32>} : memref<256x64xf32, #tpu.memory_space<vmem>>, vector<16xf32>,
      tpu.vector_store %arg6[%swap3A_70, %swap3A_71], %broadcast_in_dim3A_69 {strides = array<i32>} : memref<256x64xf32, #tpu.memory_space<vmem>>, vector<16xf32>,
      %scan3A_73 = arith.constant 1 : i32
      %scan3A_74 = arith.addi %scan3A_54, %scan3A_73 : i32
      %broadcast_in_dim3A_75 = arith.constant 0.000000e+00 : f32
      %broadcast_in_dim3A_76 = vector.broadcast %broadcast_in_dim3A_75 : f32 to vector<16xf32>
      %swap3A_77 = arith.index_cast %scan3A_74 : i32 to index
      %swap3A_78 = arith.constant 0 : index
      %swap3A_79 = tpu.vector_load %arg6[%swap3A_77, %swap3A_78] {strides = array<i32>} : memref<256x64xf32, #tpu.memory_space<vmem>>, vector<16xf32>,
      tpu.vector_store %arg6[%swap3A_77, %swap3A_78], %broadcast_in_dim3A_76 {strides = array<i32>} : memref<256x64xf32, #tpu.memory_space<vmem>>, vector<16xf32>,
      %broadcast_in_dim3A_80 = arith.constant 0.000000e+00 : f32
      %broadcast_in_dim3A_81 = vector.broadcast %broadcast_in_dim3A_80 : f32 to vector<16xf32>
      %swap3A_82 = arith.index_cast %scan3A_74 : i32 to index
      %swap3A_83 = arith.constant 16 : index
      %swap3A_84 = tpu.vector_load %arg6[%swap3A_82, %swap3A_83] {strides = array<i32>} : memref<256x64xf32, #tpu.memory_space<vmem>>, vector<16xf32>,
      tpu.vector_store %arg6[%swap3A_82, %swap3A_83], %broadcast_in_dim3A_81 {strides = array<i32>} : memref<256x64xf32, #tpu.memory_space<vmem>>, vector<16xf32>,
      %broadcast_in_dim3A_85 = arith.constant 0.000000e+00 : f32
      %broadcast_in_dim3A_86 = vector.broadcast %broadcast_in_dim3A_85 : f32 to vector<16xf32>
      %swap3A_87 = arith.index_cast %scan3A_74 : i32 to index
      %swap3A_88 = arith.constant 32 : index
      %swap3A_89 = tpu.vector_load %arg6[%swap3A_87, %swap3A_88] {strides = array<i32>} : memref<256x64xf32, #tpu.memory_space<vmem>>, vector<16xf32>,
      tpu.vector_store %arg6[%swap3A_87, %swap3A_88], %broadcast_in_dim3A_86 {strides = array<i32>} : memref<256x64xf32, #tpu.memory_space<vmem>>, vector<16xf32>,
      %broadcast_in_dim3A_90 = arith.constant 0.000000e+00 : f32
      %broadcast_in_dim3A_91 = vector.broadcast %broadcast_in_dim3A_90 : f32 to vector<16xf32>
      %swap3A_92 = arith.index_cast %scan3A_74 : i32 to index
      %swap3A_93 = arith.constant 48 : index
      %swap3A_94 = tpu.vector_load %arg6[%swap3A_92, %swap3A_93] {strides = array<i32>} : memref<256x64xf32, #tpu.memory_space<vmem>>, vector<16xf32>,
      tpu.vector_store %arg6[%swap3A_92, %swap3A_93], %broadcast_in_dim3A_91 {strides = array<i32>} : memref<256x64xf32, #tpu.memory_space<vmem>>, vector<16xf32>,
      %scan3A_95 = arith.constant 2 : i32
      %scan3A_96 = arith.addi %scan3A_54, %scan3A_95 : i32
      %broadcast_in_dim3A_97 = arith.constant 0.000000e+00 : f32
      %broadcast_in_dim3A_98 = vector.broadcast %broadcast_in_dim3A_97 : f32 to vector<16xf32>
      %swap3A_99 = arith.index_cast %scan3A_96 : i32 to index
      %swap3A_100 = arith.constant 0 : index
      %swap3A_101 = tpu.vector_load %arg6[%swap3A_99, %swap3A_100] {strides = array<i32>} : memref<256x64xf32, #tpu.memory_space<vmem>>, vector<16xf32>,
      tpu.vector_store %arg6[%swap3A_99, %swap3A_100], %broadcast_in_dim3A_98 {strides = array<i32>} : memref<256x64xf32, #tpu.memory_space<vmem>>, vector<16xf32>,
      %broadcast_in_dim3A_102 = arith.constant 0.000000e+00 : f32
      %broadcast_in_dim3A_103 = vector.broadcast %broadcast_in_dim3A_102 : f32 to vector<16xf32>
      %swap3A_104 = arith.index_cast %scan3A_96 : i32 to index
      %swap3A_105 = arith.constant 16 : index
      %swap3A_106 = tpu.vector_load %arg6[%swap3A_104, %swap3A_105] {strides = array<i32>} : memref<256x64xf32, #tpu.memory_space<vmem>>, vector<16xf32>,
      tpu.vector_store %arg6[%swap3A_104, %swap3A_105], %broadcast_in_dim3A_103 {strides = array<i32>} : memref<256x64xf32, #tpu.memory_space<vmem>>, vector<16xf32>,
      %broadcast_in_dim3A_107 = arith.constant 0.000000e+00 : f32
      %broadcast_in_dim3A_108 = vector.broadcast %broadcast_in_dim3A_107 : f32 to vector<16xf32>
      %swap3A_109 = arith.index_cast %scan3A_96 : i32 to index
      %swap3A_110 = arith.constant 32 : index
      %swap3A_111 = tpu.vector_load %arg6[%swap3A_109, %swap3A_110] {strides = array<i32>} : memref<256x64xf32, #tpu.memory_space<vmem>>, vector<16xf32>,
      tpu.vector_store %arg6[%swap3A_109, %swap3A_110], %broadcast_in_dim3A_108 {strides = array<i32>} : memref<256x64xf32, #tpu.memory_space<vmem>>, vector<16xf32>,
      %broadcast_in_dim3A_112 = arith.constant 0.000000e+00 : f32
      %broadcast_in_dim3A_113 = vector.broadcast %broadcast_in_dim3A_112 : f32 to vector<16xf32>
      %swap3A_114 = arith.index_cast %scan3A_96 : i32 to index
      %swap3A_115 = arith.constant 48 : index
      %swap3A_116 = tpu.vector_load %arg6[%swap3A_114, %swap3A_115] {strides = array<i32>} : memref<256x64xf32, #tpu.memory_space<vmem>>, vector<16xf32>,
      tpu.vector_store %arg6[%swap3A_114, %swap3A_115], %broadcast_in_dim3A_113 {strides = array<i32>} : memref<256x64xf32, #tpu.memory_space<vmem>>, vector<16xf32>,
      %scan3A_117 = arith.constant 3 : i32
      %scan3A_118 = arith.addi %scan3A_54, %scan3A_117 : i32
      %broadcast_in_dim3A_119 = arith.constant 0.000000e+00 : f32
      %broadcast_in_dim3A_120 = vector.broadcast %broadcast_in_dim3A_119 : f32 to vector<16xf32>
      %swap3A_121 = arith.index_cast %scan3A_118 : i32 to index
      %swap3A_122 = arith.constant 0 : index
      %swap3A_123 = tpu.vector_load %arg6[%swap3A_121, %swap3A_122] {strides = array<i32>} : memref<256x64xf32, #tpu.memory_space<vmem>>, vector<16xf32>,
      tpu.vector_store %arg6[%swap3A_121, %swap3A_122], %broadcast_in_dim3A_120 {strides = array<i32>} : memref<256x64xf32, #tpu.memory_space<vmem>>, vector<16xf32>,
      %broadcast_in_dim3A_124 = arith.constant 0.000000e+00 : f32
      %broadcast_in_dim3A_125 = vector.broadcast %broadcast_in_dim3A_124 : f32 to vector<16xf32>
      %swap3A_126 = arith.index_cast %scan3A_118 : i32 to index
      %swap3A_127 = arith.constant 16 : index
      %swap3A_128 = tpu.vector_load %arg6[%swap3A_126, %swap3A_127] {strides = array<i32>} : memref<256x64xf32, #tpu.memory_space<vmem>>, vector<16xf32>,
      tpu.vector_store %arg6[%swap3A_126, %swap3A_127], %broadcast_in_dim3A_125 {strides = array<i32>} : memref<256x64xf32, #tpu.memory_space<vmem>>, vector<16xf32>,
      %broadcast_in_dim3A_129 = arith.constant 0.000000e+00 : f32
      %broadcast_in_dim3A_130 = vector.broadcast %broadcast_in_dim3A_129 : f32 to vector<16xf32>
      %swap3A_131 = arith.index_cast %scan3A_118 : i32 to index
      %swap3A_132 = arith.constant 32 : index
      %swap3A_133 = tpu.vector_load %arg6[%swap3A_131, %swap3A_132] {strides = array<i32>} : memref<256x64xf32, #tpu.memory_space<vmem>>, vector<16xf32>,
      tpu.vector_store %arg6[%swap3A_131, %swap3A_132], %broadcast_in_dim3A_130 {strides = array<i32>} : memref<256x64xf32, #tpu.memory_space<vmem>>, vector<16xf32>,
      %broadcast_in_dim3A_134 = arith.constant 0.000000e+00 : f32
      %broadcast_in_dim3A_135 = vector.broadcast %broadcast_in_dim3A_134 : f32 to vector<16xf32>
      %swap3A_136 = arith.index_cast %scan3A_118 : i32 to index
      %swap3A_137 = arith.constant 48 : index
      %swap3A_138 = tpu.vector_load %arg6[%swap3A_136, %swap3A_137] {strides = array<i32>} : memref<256x64xf32, #tpu.memory_space<vmem>>, vector<16xf32>,
      tpu.vector_store %arg6[%swap3A_136, %swap3A_137], %broadcast_in_dim3A_135 {strides = array<i32>} : memref<256x64xf32, #tpu.memory_space<vmem>>, vector<16xf32>,
    }
    %scan3A_42 = arith.constant 256 : i32
    %dma_wait3A = arith.constant 0 : i32
    %dma_wait3A_43 = tpu.memref_slice %arg2[%select_n3A, %select_n3A_32, %dma_wait3A] : memref<2x4096x64xf32, #tpu.memory_space<hbm>> -> memref<1x256x64xf32, #tpu.memory_space<hbm>>
    %dma_wait3A_44 = tpu.memref_squeeze %dma_wait3A_43 : memref<1x256x64xf32, #tpu.memory_space<hbm>> -> memref<256x64xf32, #tpu.memory_space<hbm>>
    %dma_wait3A_45 = arith.constant 0 : i32
    %dma_wait3A_46 = tpu.memref_slice %arg2[%select_n3A, %select_n3A_32, %dma_wait3A_45] : memref<2x4096x64xf32, #tpu.memory_space<hbm>> -> memref<1x256x64xf32, #tpu.memory_space<hbm>>
    %dma_wait3A_47 = tpu.memref_squeeze %dma_wait3A_46 : memref<1x256x64xf32, #tpu.memory_space<hbm>> -> memref<256x64xf32, #tpu.memory_space<hbm>>
    tpu.wait_dma2 semaphore(%arg8 : memref<!tpu.dma_semaphore, #tpu.memory_space<semaphore_mem>>) src(%dma_wait3A_47 : memref<256x64xf32, #tpu.memory_space<hbm>>) dst(%arg5 : memref<256x64xf32, #tpu.memory_space<vmem>>)
    %iota3A = tpu.iota {dimensions = array<i32: 0>} : vector<16xi32>
    %scan3A_48 = arith.constant 0 : i32
    %scan3A_49 = arith.constant 0 : i32
    %scan3A_50 = arith.constant 8 : i32
    %scan3A_51 = arith.addi %scan3A_49, %scan3A_50 : i32
    %scan3A_52 = arith.constant 1 : i32
    scf.for %scan3A_54 = %scan3A_49 to %scan3A_51 step %scan3A_52  : i32 {
      %mul3A_55 = arith.constant 2 : i32
      %mul3A_56 = arith.muli %mul3A_55, %scan3A_54 : i32
      %add3A_57 = arith.constant 0 : i32
      %add3A_58 = arith.addi %mul3A_56, %add3A_57 : i32
      %mul3A_59 = arith.constant 16 : i32
      %mul3A_60 = arith.muli %add3A_58, %mul3A_59 : i32
      %add3A_61 = vector.broadcast %mul3A_60 : i32 to vector<16xi32>
      %add3A_62 = arith.addi %add3A_61, %iota3A : vector<16xi32>
      %mul3A_63 = arith.constant 2 : i32
      %mul3A_64 = arith.muli %mul3A_63, %scan3A_54 : i32
      %add3A_65 = arith.constant 1 : i32
      %add3A_66 = arith.addi %mul3A_64, %add3A_65 : i32
      %mul3A_67 = arith.constant 16 : i32
      %mul3A_68 = arith.muli %add3A_66, %mul3A_67 : i32
      %add3A_69 = vector.broadcast %mul3A_68 : i32 to vector<16xi32>
      %add3A_70 = arith.addi %add3A_69, %iota3A : vector<16xi32>
      %broadcast_in_dim3A = arith.constant -3.000000e+38 : f32
      %broadcast_in_dim3A_71 = vector.broadcast %broadcast_in_dim3A : f32 to vector<16xf32>
      %broadcast_in_dim3A_72 = arith.constant 0 : i32
      %broadcast_in_dim3A_73 = vector.broadcast %broadcast_in_dim3A_72 : i32 to vector<16xi32>
      %scan3A_74 = arith.constant 0 : i32
      %scan3A_75 = arith.constant 64 : i32
      %scan3A_76 = arith.addi %scan3A_74, %scan3A_75 : i32
      %scan3A_77 = arith.constant 8 : i32
      %scan3A_78:32 = scf.for %scan3A_173 = %scan3A_74 to %scan3A_76 step %scan3A_77 iter_args(%scan3A_174 = %broadcast_in_dim3A_71, %scan3A_175 = %broadcast_in_dim3A_71, %scan3A_176 = %broadcast_in_dim3A_71, %scan3A_177 = %broadcast_in_dim3A_71, %scan3A_178 = %broadcast_in_dim3A_71, %scan3A_179 = %broadcast_in_dim3A_71, %scan3A_180 = %broadcast_in_dim3A_71, %scan3A_181 = %broadcast_in_dim3A_71, %scan3A_182 = %broadcast_in_dim3A_73, %scan3A_183 = %broadcast_in_dim3A_73, %scan3A_184 = %broadcast_in_dim3A_73, %scan3A_185 = %broadcast_in_dim3A_73, %scan3A_186 = %broadcast_in_dim3A_73, %scan3A_187 = %broadcast_in_dim3A_73, %scan3A_188 = %broadcast_in_dim3A_73, %scan3A_189 = %broadcast_in_dim3A_73, %scan3A_190 = %broadcast_in_dim3A_71, %scan3A_191 = %broadcast_in_dim3A_71, %scan3A_192 = %broadcast_in_dim3A_71, %scan3A_193 = %broadcast_in_dim3A_71, %scan3A_194 = %broadcast_in_dim3A_71, %scan3A_195 = %broadcast_in_dim3A_71, %scan3A_196 = %broadcast_in_dim3A_71, %scan3A_197 = %broadcast_in_dim3A_71, %scan3A_198 = %broadcast_in_dim3A_73, %scan3A_199 = %broadcast_in_dim3A_73, %scan3A_200 = %broadcast_in_dim3A_73, %scan3A_201 = %broadcast_in_dim3A_73, %scan3A_202 = %broadcast_in_dim3A_73, %scan3A_203 = %broadcast_in_dim3A_73, %scan3A_204 = %broadcast_in_dim3A_73, %scan3A_205 = %broadcast_in_dim3A_73) -> (vector<16xf32>, vector<16xf32>, vector<16xf32>, vector<16xf32>, vector<16xf32>, vector<16xf32>, vector<16xf32>, vector<16xf32>, vector<16xi32>, vector<16xi32>, vector<16xi32>, vector<16xi32>, vector<16xi32>, vector<16xi32>, vector<16xi32>, vector<16xi32>, vector<16xf32>, vector<16xf32>, vector<16xf32>, vector<16xf32>, vector<16xf32>, vector<16xf32>, vector<16xf32>, vector<16xf32>, vector<16xi32>, vector<16xi32>, vector<16xi32>, vector<16xi32>, vector<16xi32>, vector<16xi32>, vector<16xi32>, vector<16xi32>)  : i32 {
        %broadcast_in_dim3A_206 = vector.broadcast %scan3A_173 : i32 to vector<16xi32>
        %gather3A = tpu.vector_load_idx %arg5[%add3A_62, %broadcast_in_dim3A_206] : memref<256x64xf32, #tpu.memory_space<vmem>>[vector<16xi32>, vector<16xi32>], vector<16xf32>,
        %gt3A = arith.cmpf ogt, %gather3A, %scan3A_174 : vector<16xf32>
        %gt3A_207 = arith.cmpf ogt, %gather3A, %scan3A_175 : vector<16xf32>
        %gt3A_208 = arith.cmpf ogt, %gather3A, %scan3A_176 : vector<16xf32>
        %gt3A_209 = arith.cmpf ogt, %gather3A, %scan3A_177 : vector<16xf32>
        %gt3A_210 = arith.cmpf ogt, %gather3A, %scan3A_178 : vector<16xf32>
        %gt3A_211 = arith.cmpf ogt, %gather3A, %scan3A_179 : vector<16xf32>
        %gt3A_212 = arith.cmpf ogt, %gather3A, %scan3A_180 : vector<16xf32>
        %gt3A_213 = arith.cmpf ogt, %gather3A, %scan3A_181 : vector<16xf32>
        %select_n3A_214 = arith.select %gt3A, %gather3A, %scan3A_174 : vector<16xi1>, vector<16xf32>
        %select_n3A_215 = arith.select %gt3A, %broadcast_in_dim3A_206, %scan3A_182 : vector<16xi1>, vector<16xi32>
        %select_n3A_216 = arith.select %gt3A_207, %gather3A, %scan3A_175 : vector<16xi1>, vector<16xf32>
        %select_n3A_217 = arith.select %gt3A, %scan3A_174, %select_n3A_216 : vector<16xi1>, vector<16xf32>
        %select_n3A_218 = arith.select %gt3A_207, %broadcast_in_dim3A_206, %scan3A_183 : vector<16xi1>, vector<16xi32>
        %select_n3A_219 = arith.select %gt3A, %scan3A_182, %select_n3A_218 : vector<16xi1>, vector<16xi32>
        %select_n3A_220 = arith.select %gt3A_208, %gather3A, %scan3A_176 : vector<16xi1>, vector<16xf32>
        %select_n3A_221 = arith.select %gt3A_207, %scan3A_175, %select_n3A_220 : vector<16xi1>, vector<16xf32>
        %select_n3A_222 = arith.select %gt3A_208, %broadcast_in_dim3A_206, %scan3A_184 : vector<16xi1>, vector<16xi32>
        %select_n3A_223 = arith.select %gt3A_207, %scan3A_183, %select_n3A_222 : vector<16xi1>, vector<16xi32>
        %select_n3A_224 = arith.select %gt3A_209, %gather3A, %scan3A_177 : vector<16xi1>, vector<16xf32>
        %select_n3A_225 = arith.select %gt3A_208, %scan3A_176, %select_n3A_224 : vector<16xi1>, vector<16xf32>
        %select_n3A_226 = arith.select %gt3A_209, %broadcast_in_dim3A_206, %scan3A_185 : vector<16xi1>, vector<16xi32>
        %select_n3A_227 = arith.select %gt3A_208, %scan3A_184, %select_n3A_226 : vector<16xi1>, vector<16xi32>
        %select_n3A_228 = arith.select %gt3A_210, %gather3A, %scan3A_178 : vector<16xi1>, vector<16xf32>
        %select_n3A_229 = arith.select %gt3A_209, %scan3A_177, %select_n3A_228 : vector<16xi1>, vector<16xf32>
        %select_n3A_230 = arith.select %gt3A_210, %broadcast_in_dim3A_206, %scan3A_186 : vector<16xi1>, vector<16xi32>
        %select_n3A_231 = arith.select %gt3A_209, %scan3A_185, %select_n3A_230 : vector<16xi1>, vector<16xi32>
        %select_n3A_232 = arith.select %gt3A_211, %gather3A, %scan3A_179 : vector<16xi1>, vector<16xf32>
        %select_n3A_233 = arith.select %gt3A_210, %scan3A_178, %select_n3A_232 : vector<16xi1>, vector<16xf32>
        %select_n3A_234 = arith.select %gt3A_211, %broadcast_in_dim3A_206, %scan3A_187 : vector<16xi1>, vector<16xi32>
        %select_n3A_235 = arith.select %gt3A_210, %scan3A_186, %select_n3A_234 : vector<16xi1>, vector<16xi32>
        %select_n3A_236 = arith.select %gt3A_212, %gather3A, %scan3A_180 : vector<16xi1>, vector<16xf32>
        %select_n3A_237 = arith.select %gt3A_211, %scan3A_179, %select_n3A_236 : vector<16xi1>, vector<16xf32>
        %select_n3A_238 = arith.select %gt3A_212, %broadcast_in_dim3A_206, %scan3A_188 : vector<16xi1>, vector<16xi32>
        %select_n3A_239 = arith.select %gt3A_211, %scan3A_187, %select_n3A_238 : vector<16xi1>, vector<16xi32>
        %select_n3A_240 = arith.select %gt3A_213, %gather3A, %scan3A_181 : vector<16xi1>, vector<16xf32>
        %select_n3A_241 = arith.select %gt3A_212, %scan3A_180, %select_n3A_240 : vector<16xi1>, vector<16xf32>
        %select_n3A_242 = arith.select %gt3A_213, %broadcast_in_dim3A_206, %scan3A_189 : vector<16xi1>, vector<16xi32>
        %select_n3A_243 = arith.select %gt3A_212, %scan3A_188, %select_n3A_242 : vector<16xi1>, vector<16xi32>
        %broadcast_in_dim3A_244 = vector.broadcast %scan3A_173 : i32 to vector<16xi32>
        %gather3A_245 = tpu.vector_load_idx %arg5[%add3A_70, %broadcast_in_dim3A_244] : memref<256x64xf32, #tpu.memory_space<vmem>>[vector<16xi32>, vector<16xi32>], vector<16xf32>,
        %gt3A_246 = arith.cmpf ogt, %gather3A_245, %scan3A_190 : vector<16xf32>
        %gt3A_247 = arith.cmpf ogt, %gather3A_245, %scan3A_191 : vector<16xf32>
        %gt3A_248 = arith.cmpf ogt, %gather3A_245, %scan3A_192 : vector<16xf32>
        %gt3A_249 = arith.cmpf ogt, %gather3A_245, %scan3A_193 : vector<16xf32>
        %gt3A_250 = arith.cmpf ogt, %gather3A_245, %scan3A_194 : vector<16xf32>
        %gt3A_251 = arith.cmpf ogt, %gather3A_245, %scan3A_195 : vector<16xf32>
        %gt3A_252 = arith.cmpf ogt, %gather3A_245, %scan3A_196 : vector<16xf32>
        %gt3A_253 = arith.cmpf ogt, %gather3A_245, %scan3A_197 : vector<16xf32>
        %select_n3A_254 = arith.select %gt3A_246, %gather3A_245, %scan3A_190 : vector<16xi1>, vector<16xf32>
        %select_n3A_255 = arith.select %gt3A_246, %broadcast_in_dim3A_244, %scan3A_198 : vector<16xi1>, vector<16xi32>
        %select_n3A_256 = arith.select %gt3A_247, %gather3A_245, %scan3A_191 : vector<16xi1>, vector<16xf32>
        %select_n3A_257 = arith.select %gt3A_246, %scan3A_190, %select_n3A_256 : vector<16xi1>, vector<16xf32>
        %select_n3A_258 = arith.select %gt3A_247, %broadcast_in_dim3A_244, %scan3A_199 : vector<16xi1>, vector<16xi32>
        %select_n3A_259 = arith.select %gt3A_246, %scan3A_198, %select_n3A_258 : vector<16xi1>, vector<16xi32>
        %select_n3A_260 = arith.select %gt3A_248, %gather3A_245, %scan3A_192 : vector<16xi1>, vector<16xf32>
        %select_n3A_261 = arith.select %gt3A_247, %scan3A_191, %select_n3A_260 : vector<16xi1>, vector<16xf32>
        %select_n3A_262 = arith.select %gt3A_248, %broadcast_in_dim3A_244, %scan3A_200 : vector<16xi1>, vector<16xi32>
        %select_n3A_263 = arith.select %gt3A_247, %scan3A_199, %select_n3A_262 : vector<16xi1>, vector<16xi32>
        %select_n3A_264 = arith.select %gt3A_249, %gather3A_245, %scan3A_193 : vector<16xi1>, vector<16xf32>
        %select_n3A_265 = arith.select %gt3A_248, %scan3A_192, %select_n3A_264 : vector<16xi1>, vector<16xf32>
        %select_n3A_266 = arith.select %gt3A_249, %broadcast_in_dim3A_244, %scan3A_201 : vector<16xi1>, vector<16xi32>
        %select_n3A_267 = arith.select %gt3A_248, %scan3A_200, %select_n3A_266 : vector<16xi1>, vector<16xi32>
        %select_n3A_268 = arith.select %gt3A_250, %gather3A_245, %scan3A_194 : vector<16xi1>, vector<16xf32>
        %select_n3A_269 = arith.select %gt3A_249, %scan3A_193, %select_n3A_268 : vector<16xi1>, vector<16xf32>
        %select_n3A_270 = arith.select %gt3A_250, %broadcast_in_dim3A_244, %scan3A_202 : vector<16xi1>, vector<16xi32>
        %select_n3A_271 = arith.select %gt3A_249, %scan3A_201, %select_n3A_270 : vector<16xi1>, vector<16xi32>
        %select_n3A_272 = arith.select %gt3A_251, %gather3A_245, %scan3A_195 : vector<16xi1>, vector<16xf32>
        %select_n3A_273 = arith.select %gt3A_250, %scan3A_194, %select_n3A_272 : vector<16xi1>, vector<16xf32>
        %select_n3A_274 = arith.select %gt3A_251, %broadcast_in_dim3A_244, %scan3A_203 : vector<16xi1>, vector<16xi32>
        %select_n3A_275 = arith.select %gt3A_250, %scan3A_202, %select_n3A_274 : vector<16xi1>, vector<16xi32>
        %select_n3A_276 = arith.select %gt3A_252, %gather3A_245, %scan3A_196 : vector<16xi1>, vector<16xf32>
        %select_n3A_277 = arith.select %gt3A_251, %scan3A_195, %select_n3A_276 : vector<16xi1>, vector<16xf32>
        %select_n3A_278 = arith.select %gt3A_252, %broadcast_in_dim3A_244, %scan3A_204 : vector<16xi1>, vector<16xi32>
        %select_n3A_279 = arith.select %gt3A_251, %scan3A_203, %select_n3A_278 : vector<16xi1>, vector<16xi32>
        %select_n3A_280 = arith.select %gt3A_253, %gather3A_245, %scan3A_197 : vector<16xi1>, vector<16xf32>
        %select_n3A_281 = arith.select %gt3A_252, %scan3A_196, %select_n3A_280 : vector<16xi1>, vector<16xf32>
        %select_n3A_282 = arith.select %gt3A_253, %broadcast_in_dim3A_244, %scan3A_205 : vector<16xi1>, vector<16xi32>
        %select_n3A_283 = arith.select %gt3A_252, %scan3A_204, %select_n3A_282 : vector<16xi1>, vector<16xi32>
        %scan3A_284 = arith.constant 1 : i32
        %scan3A_285 = arith.addi %scan3A_173, %scan3A_284 : i32
        %broadcast_in_dim3A_286 = vector.broadcast %scan3A_285 : i32 to vector<16xi32>
        %gather3A_287 = tpu.vector_load_idx %arg5[%add3A_62, %broadcast_in_dim3A_286] : memref<256x64xf32, #tpu.memory_space<vmem>>[vector<16xi32>, vector<16xi32>], vector<16xf32>,
        %gt3A_288 = arith.cmpf ogt, %gather3A_287, %select_n3A_214 : vector<16xf32>
        %gt3A_289 = arith.cmpf ogt, %gather3A_287, %select_n3A_217 : vector<16xf32>
        %gt3A_290 = arith.cmpf ogt, %gather3A_287, %select_n3A_221 : vector<16xf32>
        %gt3A_291 = arith.cmpf ogt, %gather3A_287, %select_n3A_225 : vector<16xf32>
        %gt3A_292 = arith.cmpf ogt, %gather3A_287, %select_n3A_229 : vector<16xf32>
        %gt3A_293 = arith.cmpf ogt, %gather3A_287, %select_n3A_233 : vector<16xf32>
        %gt3A_294 = arith.cmpf ogt, %gather3A_287, %select_n3A_237 : vector<16xf32>
        %gt3A_295 = arith.cmpf ogt, %gather3A_287, %select_n3A_241 : vector<16xf32>
        %select_n3A_296 = arith.select %gt3A_288, %gather3A_287, %select_n3A_214 : vector<16xi1>, vector<16xf32>
        %select_n3A_297 = arith.select %gt3A_288, %broadcast_in_dim3A_286, %select_n3A_215 : vector<16xi1>, vector<16xi32>
        %select_n3A_298 = arith.select %gt3A_289, %gather3A_287, %select_n3A_217 : vector<16xi1>, vector<16xf32>
        %select_n3A_299 = arith.select %gt3A_288, %select_n3A_214, %select_n3A_298 : vector<16xi1>, vector<16xf32>
        %select_n3A_300 = arith.select %gt3A_289, %broadcast_in_dim3A_286, %select_n3A_219 : vector<16xi1>, vector<16xi32>
        %select_n3A_301 = arith.select %gt3A_288, %select_n3A_215, %select_n3A_300 : vector<16xi1>, vector<16xi32>
        %select_n3A_302 = arith.select %gt3A_290, %gather3A_287, %select_n3A_221 : vector<16xi1>, vector<16xf32>
        %select_n3A_303 = arith.select %gt3A_289, %select_n3A_217, %select_n3A_302 : vector<16xi1>, vector<16xf32>
        %select_n3A_304 = arith.select %gt3A_290, %broadcast_in_dim3A_286, %select_n3A_223 : vector<16xi1>, vector<16xi32>
        %select_n3A_305 = arith.select %gt3A_289, %select_n3A_219, %select_n3A_304 : vector<16xi1>, vector<16xi32>
        %select_n3A_306 = arith.select %gt3A_291, %gather3A_287, %select_n3A_225 : vector<16xi1>, vector<16xf32>
        %select_n3A_307 = arith.select %gt3A_290, %select_n3A_221, %select_n3A_306 : vector<16xi1>, vector<16xf32>
        %select_n3A_308 = arith.select %gt3A_291, %broadcast_in_dim3A_286, %select_n3A_227 : vector<16xi1>, vector<16xi32>
        %select_n3A_309 = arith.select %gt3A_290, %select_n3A_223, %select_n3A_308 : vector<16xi1>, vector<16xi32>
        %select_n3A_310 = arith.select %gt3A_292, %gather3A_287, %select_n3A_229 : vector<16xi1>, vector<16xf32>
        %select_n3A_311 = arith.select %gt3A_291, %select_n3A_225, %select_n3A_310 : vector<16xi1>, vector<16xf32>
        %select_n3A_312 = arith.select %gt3A_292, %broadcast_in_dim3A_286, %select_n3A_231 : vector<16xi1>, vector<16xi32>
        %select_n3A_313 = arith.select %gt3A_291, %select_n3A_227, %select_n3A_312 : vector<16xi1>, vector<16xi32>
        %select_n3A_314 = arith.select %gt3A_293, %gather3A_287, %select_n3A_233 : vector<16xi1>, vector<16xf32>
        %select_n3A_315 = arith.select %gt3A_292, %select_n3A_229, %select_n3A_314 : vector<16xi1>, vector<16xf32>
        %select_n3A_316 = arith.select %gt3A_293, %broadcast_in_dim3A_286, %select_n3A_235 : vector<16xi1>, vector<16xi32>
        %select_n3A_317 = arith.select %gt3A_292, %select_n3A_231, %select_n3A_316 : vector<16xi1>, vector<16xi32>
        %select_n3A_318 = arith.select %gt3A_294, %gather3A_287, %select_n3A_237 : vector<16xi1>, vector<16xf32>
        %select_n3A_319 = arith.select %gt3A_293, %select_n3A_233, %select_n3A_318 : vector<16xi1>, vector<16xf32>
        %select_n3A_320 = arith.select %gt3A_294, %broadcast_in_dim3A_286, %select_n3A_239 : vector<16xi1>, vector<16xi32>
        %select_n3A_321 = arith.select %gt3A_293, %select_n3A_235, %select_n3A_320 : vector<16xi1>, vector<16xi32>
        %select_n3A_322 = arith.select %gt3A_295, %gather3A_287, %select_n3A_241 : vector<16xi1>, vector<16xf32>
        %select_n3A_323 = arith.select %gt3A_294, %select_n3A_237, %select_n3A_322 : vector<16xi1>, vector<16xf32>
        %select_n3A_324 = arith.select %gt3A_295, %broadcast_in_dim3A_286, %select_n3A_243 : vector<16xi1>, vector<16xi32>
        %select_n3A_325 = arith.select %gt3A_294, %select_n3A_239, %select_n3A_324 : vector<16xi1>, vector<16xi32>
        %broadcast_in_dim3A_326 = vector.broadcast %scan3A_285 : i32 to vector<16xi32>
        %gather3A_327 = tpu.vector_load_idx %arg5[%add3A_70, %broadcast_in_dim3A_326] : memref<256x64xf32, #tpu.memory_space<vmem>>[vector<16xi32>, vector<16xi32>], vector<16xf32>,
        %gt3A_328 = arith.cmpf ogt, %gather3A_327, %select_n3A_254 : vector<16xf32>
        %gt3A_329 = arith.cmpf ogt, %gather3A_327, %select_n3A_257 : vector<16xf32>
        %gt3A_330 = arith.cmpf ogt, %gather3A_327, %select_n3A_261 : vector<16xf32>
        %gt3A_331 = arith.cmpf ogt, %gather3A_327, %select_n3A_265 : vector<16xf32>
        %gt3A_332 = arith.cmpf ogt, %gather3A_327, %select_n3A_269 : vector<16xf32>
        %gt3A_333 = arith.cmpf ogt, %gather3A_327, %select_n3A_273 : vector<16xf32>
        %gt3A_334 = arith.cmpf ogt, %gather3A_327, %select_n3A_277 : vector<16xf32>
        %gt3A_335 = arith.cmpf ogt, %gather3A_327, %select_n3A_281 : vector<16xf32>
        %select_n3A_336 = arith.select %gt3A_328, %gather3A_327, %select_n3A_254 : vector<16xi1>, vector<16xf32>
        %select_n3A_337 = arith.select %gt3A_328, %broadcast_in_dim3A_326, %select_n3A_255 : vector<16xi1>, vector<16xi32>
        %select_n3A_338 = arith.select %gt3A_329, %gather3A_327, %select_n3A_257 : vector<16xi1>, vector<16xf32>
        %select_n3A_339 = arith.select %gt3A_328, %select_n3A_254, %select_n3A_338 : vector<16xi1>, vector<16xf32>
        %select_n3A_340 = arith.select %gt3A_329, %broadcast_in_dim3A_326, %select_n3A_259 : vector<16xi1>, vector<16xi32>
        %select_n3A_341 = arith.select %gt3A_328, %select_n3A_255, %select_n3A_340 : vector<16xi1>, vector<16xi32>
        %select_n3A_342 = arith.select %gt3A_330, %gather3A_327, %select_n3A_261 : vector<16xi1>, vector<16xf32>
        %select_n3A_343 = arith.select %gt3A_329, %select_n3A_257, %select_n3A_342 : vector<16xi1>, vector<16xf32>
        %select_n3A_344 = arith.select %gt3A_330, %broadcast_in_dim3A_326, %select_n3A_263 : vector<16xi1>, vector<16xi32>
        %select_n3A_345 = arith.select %gt3A_329, %select_n3A_259, %select_n3A_344 : vector<16xi1>, vector<16xi32>
        %select_n3A_346 = arith.select %gt3A_331, %gather3A_327, %select_n3A_265 : vector<16xi1>, vector<16xf32>
        %select_n3A_347 = arith.select %gt3A_330, %select_n3A_261, %select_n3A_346 : vector<16xi1>, vector<16xf32>
        %select_n3A_348 = arith.select %gt3A_331, %broadcast_in_dim3A_326, %select_n3A_267 : vector<16xi1>, vector<16xi32>
        %select_n3A_349 = arith.select %gt3A_330, %select_n3A_263, %select_n3A_348 : vector<16xi1>, vector<16xi32>
        %select_n3A_350 = arith.select %gt3A_332, %gather3A_327, %select_n3A_269 : vector<16xi1>, vector<16xf32>
        %select_n3A_351 = arith.select %gt3A_331, %select_n3A_265, %select_n3A_350 : vector<16xi1>, vector<16xf32>
        %select_n3A_352 = arith.select %gt3A_332, %broadcast_in_dim3A_326, %select_n3A_271 : vector<16xi1>, vector<16xi32>
        %select_n3A_353 = arith.select %gt3A_331, %select_n3A_267, %select_n3A_352 : vector<16xi1>, vector<16xi32>
        %select_n3A_354 = arith.select %gt3A_333, %gather3A_327, %select_n3A_273 : vector<16xi1>, vector<16xf32>
        %select_n3A_355 = arith.select %gt3A_332, %select_n3A_269, %select_n3A_354 : vector<16xi1>, vector<16xf32>
        %select_n3A_356 = arith.select %gt3A_333, %broadcast_in_dim3A_326, %select_n3A_275 : vector<16xi1>, vector<16xi32>
        %select_n3A_357 = arith.select %gt3A_332, %select_n3A_271, %select_n3A_356 : vector<16xi1>, vector<16xi32>
        %select_n3A_358 = arith.select %gt3A_334, %gather3A_327, %select_n3A_277 : vector<16xi1>, vector<16xf32>
        %select_n3A_359 = arith.select %gt3A_333, %select_n3A_273, %select_n3A_358 : vector<16xi1>, vector<16xf32>
        %select_n3A_360 = arith.select %gt3A_334, %broadcast_in_dim3A_326, %select_n3A_279 : vector<16xi1>, vector<16xi32>
        %select_n3A_361 = arith.select %gt3A_333, %select_n3A_275, %select_n3A_360 : vector<16xi1>, vector<16xi32>
        %select_n3A_362 = arith.select %gt3A_335, %gather3A_327, %select_n3A_281 : vector<16xi1>, vector<16xf32>
        %select_n3A_363 = arith.select %gt3A_334, %select_n3A_277, %select_n3A_362 : vector<16xi1>, vector<16xf32>
        %select_n3A_364 = arith.select %gt3A_335, %broadcast_in_dim3A_326, %select_n3A_283 : vector<16xi1>, vector<16xi32>
        %select_n3A_365 = arith.select %gt3A_334, %select_n3A_279, %select_n3A_364 : vector<16xi1>, vector<16xi32>
        %scan3A_366 = arith.constant 2 : i32
        %scan3A_367 = arith.addi %scan3A_173, %scan3A_366 : i32
        %broadcast_in_dim3A_368 = vector.broadcast %scan3A_367 : i32 to vector<16xi32>
        %gather3A_369 = tpu.vector_load_idx %arg5[%add3A_62, %broadcast_in_dim3A_368] : memref<256x64xf32, #tpu.memory_space<vmem>>[vector<16xi32>, vector<16xi32>], vector<16xf32>,
        %gt3A_370 = arith.cmpf ogt, %gather3A_369, %select_n3A_296 : vector<16xf32>
        %gt3A_371 = arith.cmpf ogt, %gather3A_369, %select_n3A_299 : vector<16xf32>
        %gt3A_372 = arith.cmpf ogt, %gather3A_369, %select_n3A_303 : vector<16xf32>
        %gt3A_373 = arith.cmpf ogt, %gather3A_369, %select_n3A_307 : vector<16xf32>
        %gt3A_374 = arith.cmpf ogt, %gather3A_369, %select_n3A_311 : vector<16xf32>
        %gt3A_375 = arith.cmpf ogt, %gather3A_369, %select_n3A_315 : vector<16xf32>
        %gt3A_376 = arith.cmpf ogt, %gather3A_369, %select_n3A_319 : vector<16xf32>
        %gt3A_377 = arith.cmpf ogt, %gather3A_369, %select_n3A_323 : vector<16xf32>
        %select_n3A_378 = arith.select %gt3A_370, %gather3A_369, %select_n3A_296 : vector<16xi1>, vector<16xf32>
        %select_n3A_379 = arith.select %gt3A_370, %broadcast_in_dim3A_368, %select_n3A_297 : vector<16xi1>, vector<16xi32>
        %select_n3A_380 = arith.select %gt3A_371, %gather3A_369, %select_n3A_299 : vector<16xi1>, vector<16xf32>
        %select_n3A_381 = arith.select %gt3A_370, %select_n3A_296, %select_n3A_380 : vector<16xi1>, vector<16xf32>
        %select_n3A_382 = arith.select %gt3A_371, %broadcast_in_dim3A_368, %select_n3A_301 : vector<16xi1>, vector<16xi32>
        %select_n3A_383 = arith.select %gt3A_370, %select_n3A_297, %select_n3A_382 : vector<16xi1>, vector<16xi32>
        %select_n3A_384 = arith.select %gt3A_372, %gather3A_369, %select_n3A_303 : vector<16xi1>, vector<16xf32>
        %select_n3A_385 = arith.select %gt3A_371, %select_n3A_299, %select_n3A_384 : vector<16xi1>, vector<16xf32>
        %select_n3A_386 = arith.select %gt3A_372, %broadcast_in_dim3A_368, %select_n3A_305 : vector<16xi1>, vector<16xi32>
        %select_n3A_387 = arith.select %gt3A_371, %select_n3A_301, %select_n3A_386 : vector<16xi1>, vector<16xi32>
        %select_n3A_388 = arith.select %gt3A_373, %gather3A_369, %select_n3A_307 : vector<16xi1>, vector<16xf32>
        %select_n3A_389 = arith.select %gt3A_372, %select_n3A_303, %select_n3A_388 : vector<16xi1>, vector<16xf32>
        %select_n3A_390 = arith.select %gt3A_373, %broadcast_in_dim3A_368, %select_n3A_309 : vector<16xi1>, vector<16xi32>
        %select_n3A_391 = arith.select %gt3A_372, %select_n3A_305, %select_n3A_390 : vector<16xi1>, vector<16xi32>
        %select_n3A_392 = arith.select %gt3A_374, %gather3A_369, %select_n3A_311 : vector<16xi1>, vector<16xf32>
        %select_n3A_393 = arith.select %gt3A_373, %select_n3A_307, %select_n3A_392 : vector<16xi1>, vector<16xf32>
        %select_n3A_394 = arith.select %gt3A_374, %broadcast_in_dim3A_368, %select_n3A_313 : vector<16xi1>, vector<16xi32>
        %select_n3A_395 = arith.select %gt3A_373, %select_n3A_309, %select_n3A_394 : vector<16xi1>, vector<16xi32>
        %select_n3A_396 = arith.select %gt3A_375, %gather3A_369, %select_n3A_315 : vector<16xi1>, vector<16xf32>
        %select_n3A_397 = arith.select %gt3A_374, %select_n3A_311, %select_n3A_396 : vector<16xi1>, vector<16xf32>
        %select_n3A_398 = arith.select %gt3A_375, %broadcast_in_dim3A_368, %select_n3A_317 : vector<16xi1>, vector<16xi32>
        %select_n3A_399 = arith.select %gt3A_374, %select_n3A_313, %select_n3A_398 : vector<16xi1>, vector<16xi32>
        %select_n3A_400 = arith.select %gt3A_376, %gather3A_369, %select_n3A_319 : vector<16xi1>, vector<16xf32>
        %select_n3A_401 = arith.select %gt3A_375, %select_n3A_315, %select_n3A_400 : vector<16xi1>, vector<16xf32>
        %select_n3A_402 = arith.select %gt3A_376, %broadcast_in_dim3A_368, %select_n3A_321 : vector<16xi1>, vector<16xi32>
        %select_n3A_403 = arith.select %gt3A_375, %select_n3A_317, %select_n3A_402 : vector<16xi1>, vector<16xi32>
        %select_n3A_404 = arith.select %gt3A_377, %gather3A_369, %select_n3A_323 : vector<16xi1>, vector<16xf32>
        %select_n3A_405 = arith.select %gt3A_376, %select_n3A_319, %select_n3A_404 : vector<16xi1>, vector<16xf32>
        %select_n3A_406 = arith.select %gt3A_377, %broadcast_in_dim3A_368, %select_n3A_325 : vector<16xi1>, vector<16xi32>
        %select_n3A_407 = arith.select %gt3A_376, %select_n3A_321, %select_n3A_406 : vector<16xi1>, vector<16xi32>
        %broadcast_in_dim3A_408 = vector.broadcast %scan3A_367 : i32 to vector<16xi32>
        %gather3A_409 = tpu.vector_load_idx %arg5[%add3A_70, %broadcast_in_dim3A_408] : memref<256x64xf32, #tpu.memory_space<vmem>>[vector<16xi32>, vector<16xi32>], vector<16xf32>,
        %gt3A_410 = arith.cmpf ogt, %gather3A_409, %select_n3A_336 : vector<16xf32>
        %gt3A_411 = arith.cmpf ogt, %gather3A_409, %select_n3A_339 : vector<16xf32>
        %gt3A_412 = arith.cmpf ogt, %gather3A_409, %select_n3A_343 : vector<16xf32>
        %gt3A_413 = arith.cmpf ogt, %gather3A_409, %select_n3A_347 : vector<16xf32>
        %gt3A_414 = arith.cmpf ogt, %gather3A_409, %select_n3A_351 : vector<16xf32>
        %gt3A_415 = arith.cmpf ogt, %gather3A_409, %select_n3A_355 : vector<16xf32>
        %gt3A_416 = arith.cmpf ogt, %gather3A_409, %select_n3A_359 : vector<16xf32>
        %gt3A_417 = arith.cmpf ogt, %gather3A_409, %select_n3A_363 : vector<16xf32>
        %select_n3A_418 = arith.select %gt3A_410, %gather3A_409, %select_n3A_336 : vector<16xi1>, vector<16xf32>
        %select_n3A_419 = arith.select %gt3A_410, %broadcast_in_dim3A_408, %select_n3A_337 : vector<16xi1>, vector<16xi32>
        %select_n3A_420 = arith.select %gt3A_411, %gather3A_409, %select_n3A_339 : vector<16xi1>, vector<16xf32>
        %select_n3A_421 = arith.select %gt3A_410, %select_n3A_336, %select_n3A_420 : vector<16xi1>, vector<16xf32>
        %select_n3A_422 = arith.select %gt3A_411, %broadcast_in_dim3A_408, %select_n3A_341 : vector<16xi1>, vector<16xi32>
        %select_n3A_423 = arith.select %gt3A_410, %select_n3A_337, %select_n3A_422 : vector<16xi1>, vector<16xi32>
        %select_n3A_424 = arith.select %gt3A_412, %gather3A_409, %select_n3A_343 : vector<16xi1>, vector<16xf32>
        %select_n3A_425 = arith.select %gt3A_411, %select_n3A_339, %select_n3A_424 : vector<16xi1>, vector<16xf32>
        %select_n3A_426 = arith.select %gt3A_412, %broadcast_in_dim3A_408, %select_n3A_345 : vector<16xi1>, vector<16xi32>
        %select_n3A_427 = arith.select %gt3A_411, %select_n3A_341, %select_n3A_426 : vector<16xi1>, vector<16xi32>
        %select_n3A_428 = arith.select %gt3A_413, %gather3A_409, %select_n3A_347 : vector<16xi1>, vector<16xf32>
        %select_n3A_429 = arith.select %gt3A_412, %select_n3A_343, %select_n3A_428 : vector<16xi1>, vector<16xf32>
        %select_n3A_430 = arith.select %gt3A_413, %broadcast_in_dim3A_408, %select_n3A_349 : vector<16xi1>, vector<16xi32>
        %select_n3A_431 = arith.select %gt3A_412, %select_n3A_345, %select_n3A_430 : vector<16xi1>, vector<16xi32>
        %select_n3A_432 = arith.select %gt3A_414, %gather3A_409, %select_n3A_351 : vector<16xi1>, vector<16xf32>
        %select_n3A_433 = arith.select %gt3A_413, %select_n3A_347, %select_n3A_432 : vector<16xi1>, vector<16xf32>
        %select_n3A_434 = arith.select %gt3A_414, %broadcast_in_dim3A_408, %select_n3A_353 : vector<16xi1>, vector<16xi32>
        %select_n3A_435 = arith.select %gt3A_413, %select_n3A_349, %select_n3A_434 : vector<16xi1>, vector<16xi32>
        %select_n3A_436 = arith.select %gt3A_415, %gather3A_409, %select_n3A_355 : vector<16xi1>, vector<16xf32>
        %select_n3A_437 = arith.select %gt3A_414, %select_n3A_351, %select_n3A_436 : vector<16xi1>, vector<16xf32>
        %select_n3A_438 = arith.select %gt3A_415, %broadcast_in_dim3A_408, %select_n3A_357 : vector<16xi1>, vector<16xi32>
        %select_n3A_439 = arith.select %gt3A_414, %select_n3A_353, %select_n3A_438 : vector<16xi1>, vector<16xi32>
        %select_n3A_440 = arith.select %gt3A_416, %gather3A_409, %select_n3A_359 : vector<16xi1>, vector<16xf32>
        %select_n3A_441 = arith.select %gt3A_415, %select_n3A_355, %select_n3A_440 : vector<16xi1>, vector<16xf32>
        %select_n3A_442 = arith.select %gt3A_416, %broadcast_in_dim3A_408, %select_n3A_361 : vector<16xi1>, vector<16xi32>
        %select_n3A_443 = arith.select %gt3A_415, %select_n3A_357, %select_n3A_442 : vector<16xi1>, vector<16xi32>
        %select_n3A_444 = arith.select %gt3A_417, %gather3A_409, %select_n3A_363 : vector<16xi1>, vector<16xf32>
        %select_n3A_445 = arith.select %gt3A_416, %select_n3A_359, %select_n3A_444 : vector<16xi1>, vector<16xf32>
        %select_n3A_446 = arith.select %gt3A_417, %broadcast_in_dim3A_408, %select_n3A_365 : vector<16xi1>, vector<16xi32>
        %select_n3A_447 = arith.select %gt3A_416, %select_n3A_361, %select_n3A_446 : vector<16xi1>, vector<16xi32>
        %scan3A_448 = arith.constant 3 : i32
        %scan3A_449 = arith.addi %scan3A_173, %scan3A_448 : i32
        %broadcast_in_dim3A_450 = vector.broadcast %scan3A_449 : i32 to vector<16xi32>
        %gather3A_451 = tpu.vector_load_idx %arg5[%add3A_62, %broadcast_in_dim3A_450] : memref<256x64xf32, #tpu.memory_space<vmem>>[vector<16xi32>, vector<16xi32>], vector<16xf32>,
        %gt3A_452 = arith.cmpf ogt, %gather3A_451, %select_n3A_378 : vector<16xf32>
        %gt3A_453 = arith.cmpf ogt, %gather3A_451, %select_n3A_381 : vector<16xf32>
        %gt3A_454 = arith.cmpf ogt, %gather3A_451, %select_n3A_385 : vector<16xf32>
        %gt3A_455 = arith.cmpf ogt, %gather3A_451, %select_n3A_389 : vector<16xf32>
        %gt3A_456 = arith.cmpf ogt, %gather3A_451, %select_n3A_393 : vector<16xf32>
        %gt3A_457 = arith.cmpf ogt, %gather3A_451, %select_n3A_397 : vector<16xf32>
        %gt3A_458 = arith.cmpf ogt, %gather3A_451, %select_n3A_401 : vector<16xf32>
        %gt3A_459 = arith.cmpf ogt, %gather3A_451, %select_n3A_405 : vector<16xf32>
        %select_n3A_460 = arith.select %gt3A_452, %gather3A_451, %select_n3A_378 : vector<16xi1>, vector<16xf32>
        %select_n3A_461 = arith.select %gt3A_452, %broadcast_in_dim3A_450, %select_n3A_379 : vector<16xi1>, vector<16xi32>
        %select_n3A_462 = arith.select %gt3A_453, %gather3A_451, %select_n3A_381 : vector<16xi1>, vector<16xf32>
        %select_n3A_463 = arith.select %gt3A_452, %select_n3A_378, %select_n3A_462 : vector<16xi1>, vector<16xf32>
        %select_n3A_464 = arith.select %gt3A_453, %broadcast_in_dim3A_450, %select_n3A_383 : vector<16xi1>, vector<16xi32>
        %select_n3A_465 = arith.select %gt3A_452, %select_n3A_379, %select_n3A_464 : vector<16xi1>, vector<16xi32>
        %select_n3A_466 = arith.select %gt3A_454, %gather3A_451, %select_n3A_385 : vector<16xi1>, vector<16xf32>
        %select_n3A_467 = arith.select %gt3A_453, %select_n3A_381, %select_n3A_466 : vector<16xi1>, vector<16xf32>
        %select_n3A_468 = arith.select %gt3A_454, %broadcast_in_dim3A_450, %select_n3A_387 : vector<16xi1>, vector<16xi32>
        %select_n3A_469 = arith.select %gt3A_453, %select_n3A_383, %select_n3A_468 : vector<16xi1>, vector<16xi32>
        %select_n3A_470 = arith.select %gt3A_455, %gather3A_451, %select_n3A_389 : vector<16xi1>, vector<16xf32>
        %select_n3A_471 = arith.select %gt3A_454, %select_n3A_385, %select_n3A_470 : vector<16xi1>, vector<16xf32>
        %select_n3A_472 = arith.select %gt3A_455, %broadcast_in_dim3A_450, %select_n3A_391 : vector<16xi1>, vector<16xi32>
        %select_n3A_473 = arith.select %gt3A_454, %select_n3A_387, %select_n3A_472 : vector<16xi1>, vector<16xi32>
        %select_n3A_474 = arith.select %gt3A_456, %gather3A_451, %select_n3A_393 : vector<16xi1>, vector<16xf32>
        %select_n3A_475 = arith.select %gt3A_455, %select_n3A_389, %select_n3A_474 : vector<16xi1>, vector<16xf32>
        %select_n3A_476 = arith.select %gt3A_456, %broadcast_in_dim3A_450, %select_n3A_395 : vector<16xi1>, vector<16xi32>
        %select_n3A_477 = arith.select %gt3A_455, %select_n3A_391, %select_n3A_476 : vector<16xi1>, vector<16xi32>
        %select_n3A_478 = arith.select %gt3A_457, %gather3A_451, %select_n3A_397 : vector<16xi1>, vector<16xf32>
        %select_n3A_479 = arith.select %gt3A_456, %select_n3A_393, %select_n3A_478 : vector<16xi1>, vector<16xf32>
        %select_n3A_480 = arith.select %gt3A_457, %broadcast_in_dim3A_450, %select_n3A_399 : vector<16xi1>, vector<16xi32>
        %select_n3A_481 = arith.select %gt3A_456, %select_n3A_395, %select_n3A_480 : vector<16xi1>, vector<16xi32>
        %select_n3A_482 = arith.select %gt3A_458, %gather3A_451, %select_n3A_401 : vector<16xi1>, vector<16xf32>
        %select_n3A_483 = arith.select %gt3A_457, %select_n3A_397, %select_n3A_482 : vector<16xi1>, vector<16xf32>
        %select_n3A_484 = arith.select %gt3A_458, %broadcast_in_dim3A_450, %select_n3A_403 : vector<16xi1>, vector<16xi32>
        %select_n3A_485 = arith.select %gt3A_457, %select_n3A_399, %select_n3A_484 : vector<16xi1>, vector<16xi32>
        %select_n3A_486 = arith.select %gt3A_459, %gather3A_451, %select_n3A_405 : vector<16xi1>, vector<16xf32>
        %select_n3A_487 = arith.select %gt3A_458, %select_n3A_401, %select_n3A_486 : vector<16xi1>, vector<16xf32>
        %select_n3A_488 = arith.select %gt3A_459, %broadcast_in_dim3A_450, %select_n3A_407 : vector<16xi1>, vector<16xi32>
        %select_n3A_489 = arith.select %gt3A_458, %select_n3A_403, %select_n3A_488 : vector<16xi1>, vector<16xi32>
        %broadcast_in_dim3A_490 = vector.broadcast %scan3A_449 : i32 to vector<16xi32>
        %gather3A_491 = tpu.vector_load_idx %arg5[%add3A_70, %broadcast_in_dim3A_490] : memref<256x64xf32, #tpu.memory_space<vmem>>[vector<16xi32>, vector<16xi32>], vector<16xf32>,
        %gt3A_492 = arith.cmpf ogt, %gather3A_491, %select_n3A_418 : vector<16xf32>
        %gt3A_493 = arith.cmpf ogt, %gather3A_491, %select_n3A_421 : vector<16xf32>
        %gt3A_494 = arith.cmpf ogt, %gather3A_491, %select_n3A_425 : vector<16xf32>
        %gt3A_495 = arith.cmpf ogt, %gather3A_491, %select_n3A_429 : vector<16xf32>
        %gt3A_496 = arith.cmpf ogt, %gather3A_491, %select_n3A_433 : vector<16xf32>
        %gt3A_497 = arith.cmpf ogt, %gather3A_491, %select_n3A_437 : vector<16xf32>
        %gt3A_498 = arith.cmpf ogt, %gather3A_491, %select_n3A_441 : vector<16xf32>
        %gt3A_499 = arith.cmpf ogt, %gather3A_491, %select_n3A_445 : vector<16xf32>
        %select_n3A_500 = arith.select %gt3A_492, %gather3A_491, %select_n3A_418 : vector<16xi1>, vector<16xf32>
        %select_n3A_501 = arith.select %gt3A_492, %broadcast_in_dim3A_490, %select_n3A_419 : vector<16xi1>, vector<16xi32>
        %select_n3A_502 = arith.select %gt3A_493, %gather3A_491, %select_n3A_421 : vector<16xi1>, vector<16xf32>
        %select_n3A_503 = arith.select %gt3A_492, %select_n3A_418, %select_n3A_502 : vector<16xi1>, vector<16xf32>
        %select_n3A_504 = arith.select %gt3A_493, %broadcast_in_dim3A_490, %select_n3A_423 : vector<16xi1>, vector<16xi32>
        %select_n3A_505 = arith.select %gt3A_492, %select_n3A_419, %select_n3A_504 : vector<16xi1>, vector<16xi32>
        %select_n3A_506 = arith.select %gt3A_494, %gather3A_491, %select_n3A_425 : vector<16xi1>, vector<16xf32>
        %select_n3A_507 = arith.select %gt3A_493, %select_n3A_421, %select_n3A_506 : vector<16xi1>, vector<16xf32>
        %select_n3A_508 = arith.select %gt3A_494, %broadcast_in_dim3A_490, %select_n3A_427 : vector<16xi1>, vector<16xi32>
        %select_n3A_509 = arith.select %gt3A_493, %select_n3A_423, %select_n3A_508 : vector<16xi1>, vector<16xi32>
        %select_n3A_510 = arith.select %gt3A_495, %gather3A_491, %select_n3A_429 : vector<16xi1>, vector<16xf32>
        %select_n3A_511 = arith.select %gt3A_494, %select_n3A_425, %select_n3A_510 : vector<16xi1>, vector<16xf32>
        %select_n3A_512 = arith.select %gt3A_495, %broadcast_in_dim3A_490, %select_n3A_431 : vector<16xi1>, vector<16xi32>
        %select_n3A_513 = arith.select %gt3A_494, %select_n3A_427, %select_n3A_512 : vector<16xi1>, vector<16xi32>
        %select_n3A_514 = arith.select %gt3A_496, %gather3A_491, %select_n3A_433 : vector<16xi1>, vector<16xf32>
        %select_n3A_515 = arith.select %gt3A_495, %select_n3A_429, %select_n3A_514 : vector<16xi1>, vector<16xf32>
        %select_n3A_516 = arith.select %gt3A_496, %broadcast_in_dim3A_490, %select_n3A_435 : vector<16xi1>, vector<16xi32>
        %select_n3A_517 = arith.select %gt3A_495, %select_n3A_431, %select_n3A_516 : vector<16xi1>, vector<16xi32>
        %select_n3A_518 = arith.select %gt3A_497, %gather3A_491, %select_n3A_437 : vector<16xi1>, vector<16xf32>
        %select_n3A_519 = arith.select %gt3A_496, %select_n3A_433, %select_n3A_518 : vector<16xi1>, vector<16xf32>
        %select_n3A_520 = arith.select %gt3A_497, %broadcast_in_dim3A_490, %select_n3A_439 : vector<16xi1>, vector<16xi32>
        %select_n3A_521 = arith.select %gt3A_496, %select_n3A_435, %select_n3A_520 : vector<16xi1>, vector<16xi32>
        %select_n3A_522 = arith.select %gt3A_498, %gather3A_491, %select_n3A_441 : vector<16xi1>, vector<16xf32>
        %select_n3A_523 = arith.select %gt3A_497, %select_n3A_437, %select_n3A_522 : vector<16xi1>, vector<16xf32>
        %select_n3A_524 = arith.select %gt3A_498, %broadcast_in_dim3A_490, %select_n3A_443 : vector<16xi1>, vector<16xi32>
        %select_n3A_525 = arith.select %gt3A_497, %select_n3A_439, %select_n3A_524 : vector<16xi1>, vector<16xi32>
        %select_n3A_526 = arith.select %gt3A_499, %gather3A_491, %select_n3A_445 : vector<16xi1>, vector<16xf32>
        %select_n3A_527 = arith.select %gt3A_498, %select_n3A_441, %select_n3A_526 : vector<16xi1>, vector<16xf32>
        %select_n3A_528 = arith.select %gt3A_499, %broadcast_in_dim3A_490, %select_n3A_447 : vector<16xi1>, vector<16xi32>
        %select_n3A_529 = arith.select %gt3A_498, %select_n3A_443, %select_n3A_528 : vector<16xi1>, vector<16xi32>
        %scan3A_530 = arith.constant 4 : i32
        %scan3A_531 = arith.addi %scan3A_173, %scan3A_530 : i32
        %broadcast_in_dim3A_532 = vector.broadcast %scan3A_531 : i32 to vector<16xi32>
        %gather3A_533 = tpu.vector_load_idx %arg5[%add3A_62, %broadcast_in_dim3A_532] : memref<256x64xf32, #tpu.memory_space<vmem>>[vector<16xi32>, vector<16xi32>], vector<16xf32>,
        %gt3A_534 = arith.cmpf ogt, %gather3A_533, %select_n3A_460 : vector<16xf32>
        %gt3A_535 = arith.cmpf ogt, %gather3A_533, %select_n3A_463 : vector<16xf32>
        %gt3A_536 = arith.cmpf ogt, %gather3A_533, %select_n3A_467 : vector<16xf32>
        %gt3A_537 = arith.cmpf ogt, %gather3A_533, %select_n3A_471 : vector<16xf32>
        %gt3A_538 = arith.cmpf ogt, %gather3A_533, %select_n3A_475 : vector<16xf32>
        %gt3A_539 = arith.cmpf ogt, %gather3A_533, %select_n3A_479 : vector<16xf32>
        %gt3A_540 = arith.cmpf ogt, %gather3A_533, %select_n3A_483 : vector<16xf32>
        %gt3A_541 = arith.cmpf ogt, %gather3A_533, %select_n3A_487 : vector<16xf32>
        %select_n3A_542 = arith.select %gt3A_534, %gather3A_533, %select_n3A_460 : vector<16xi1>, vector<16xf32>
        %select_n3A_543 = arith.select %gt3A_534, %broadcast_in_dim3A_532, %select_n3A_461 : vector<16xi1>, vector<16xi32>
        %select_n3A_544 = arith.select %gt3A_535, %gather3A_533, %select_n3A_463 : vector<16xi1>, vector<16xf32>
        %select_n3A_545 = arith.select %gt3A_534, %select_n3A_460, %select_n3A_544 : vector<16xi1>, vector<16xf32>
        %select_n3A_546 = arith.select %gt3A_535, %broadcast_in_dim3A_532, %select_n3A_465 : vector<16xi1>, vector<16xi32>
        %select_n3A_547 = arith.select %gt3A_534, %select_n3A_461, %select_n3A_546 : vector<16xi1>, vector<16xi32>
        %select_n3A_548 = arith.select %gt3A_536, %gather3A_533, %select_n3A_467 : vector<16xi1>, vector<16xf32>
        %select_n3A_549 = arith.select %gt3A_535, %select_n3A_463, %select_n3A_548 : vector<16xi1>, vector<16xf32>
        %select_n3A_550 = arith.select %gt3A_536, %broadcast_in_dim3A_532, %select_n3A_469 : vector<16xi1>, vector<16xi32>
        %select_n3A_551 = arith.select %gt3A_535, %select_n3A_465, %select_n3A_550 : vector<16xi1>, vector<16xi32>
        %select_n3A_552 = arith.select %gt3A_537, %gather3A_533, %select_n3A_471 : vector<16xi1>, vector<16xf32>
        %select_n3A_553 = arith.select %gt3A_536, %select_n3A_467, %select_n3A_552 : vector<16xi1>, vector<16xf32>
        %select_n3A_554 = arith.select %gt3A_537, %broadcast_in_dim3A_532, %select_n3A_473 : vector<16xi1>, vector<16xi32>
        %select_n3A_555 = arith.select %gt3A_536, %select_n3A_469, %select_n3A_554 : vector<16xi1>, vector<16xi32>
        %select_n3A_556 = arith.select %gt3A_538, %gather3A_533, %select_n3A_475 : vector<16xi1>, vector<16xf32>
        %select_n3A_557 = arith.select %gt3A_537, %select_n3A_471, %select_n3A_556 : vector<16xi1>, vector<16xf32>
        %select_n3A_558 = arith.select %gt3A_538, %broadcast_in_dim3A_532, %select_n3A_477 : vector<16xi1>, vector<16xi32>
        %select_n3A_559 = arith.select %gt3A_537, %select_n3A_473, %select_n3A_558 : vector<16xi1>, vector<16xi32>
        %select_n3A_560 = arith.select %gt3A_539, %gather3A_533, %select_n3A_479 : vector<16xi1>, vector<16xf32>
        %select_n3A_561 = arith.select %gt3A_538, %select_n3A_475, %select_n3A_560 : vector<16xi1>, vector<16xf32>
        %select_n3A_562 = arith.select %gt3A_539, %broadcast_in_dim3A_532, %select_n3A_481 : vector<16xi1>, vector<16xi32>
        %select_n3A_563 = arith.select %gt3A_538, %select_n3A_477, %select_n3A_562 : vector<16xi1>, vector<16xi32>
        %select_n3A_564 = arith.select %gt3A_540, %gather3A_533, %select_n3A_483 : vector<16xi1>, vector<16xf32>
        %select_n3A_565 = arith.select %gt3A_539, %select_n3A_479, %select_n3A_564 : vector<16xi1>, vector<16xf32>
        %select_n3A_566 = arith.select %gt3A_540, %broadcast_in_dim3A_532, %select_n3A_485 : vector<16xi1>, vector<16xi32>
        %select_n3A_567 = arith.select %gt3A_539, %select_n3A_481, %select_n3A_566 : vector<16xi1>, vector<16xi32>
        %select_n3A_568 = arith.select %gt3A_541, %gather3A_533, %select_n3A_487 : vector<16xi1>, vector<16xf32>
        %select_n3A_569 = arith.select %gt3A_540, %select_n3A_483, %select_n3A_568 : vector<16xi1>, vector<16xf32>
        %select_n3A_570 = arith.select %gt3A_541, %broadcast_in_dim3A_532, %select_n3A_489 : vector<16xi1>, vector<16xi32>
        %select_n3A_571 = arith.select %gt3A_540, %select_n3A_485, %select_n3A_570 : vector<16xi1>, vector<16xi32>
        %broadcast_in_dim3A_572 = vector.broadcast %scan3A_531 : i32 to vector<16xi32>
        %gather3A_573 = tpu.vector_load_idx %arg5[%add3A_70, %broadcast_in_dim3A_572] : memref<256x64xf32, #tpu.memory_space<vmem>>[vector<16xi32>, vector<16xi32>], vector<16xf32>,
        %gt3A_574 = arith.cmpf ogt, %gather3A_573, %select_n3A_500 : vector<16xf32>
        %gt3A_575 = arith.cmpf ogt, %gather3A_573, %select_n3A_503 : vector<16xf32>
        %gt3A_576 = arith.cmpf ogt, %gather3A_573, %select_n3A_507 : vector<16xf32>
        %gt3A_577 = arith.cmpf ogt, %gather3A_573, %select_n3A_511 : vector<16xf32>
        %gt3A_578 = arith.cmpf ogt, %gather3A_573, %select_n3A_515 : vector<16xf32>
        %gt3A_579 = arith.cmpf ogt, %gather3A_573, %select_n3A_519 : vector<16xf32>
        %gt3A_580 = arith.cmpf ogt, %gather3A_573, %select_n3A_523 : vector<16xf32>
        %gt3A_581 = arith.cmpf ogt, %gather3A_573, %select_n3A_527 : vector<16xf32>
        %select_n3A_582 = arith.select %gt3A_574, %gather3A_573, %select_n3A_500 : vector<16xi1>, vector<16xf32>
        %select_n3A_583 = arith.select %gt3A_574, %broadcast_in_dim3A_572, %select_n3A_501 : vector<16xi1>, vector<16xi32>
        %select_n3A_584 = arith.select %gt3A_575, %gather3A_573, %select_n3A_503 : vector<16xi1>, vector<16xf32>
        %select_n3A_585 = arith.select %gt3A_574, %select_n3A_500, %select_n3A_584 : vector<16xi1>, vector<16xf32>
        %select_n3A_586 = arith.select %gt3A_575, %broadcast_in_dim3A_572, %select_n3A_505 : vector<16xi1>, vector<16xi32>
        %select_n3A_587 = arith.select %gt3A_574, %select_n3A_501, %select_n3A_586 : vector<16xi1>, vector<16xi32>
        %select_n3A_588 = arith.select %gt3A_576, %gather3A_573, %select_n3A_507 : vector<16xi1>, vector<16xf32>
        %select_n3A_589 = arith.select %gt3A_575, %select_n3A_503, %select_n3A_588 : vector<16xi1>, vector<16xf32>
        %select_n3A_590 = arith.select %gt3A_576, %broadcast_in_dim3A_572, %select_n3A_509 : vector<16xi1>, vector<16xi32>
        %select_n3A_591 = arith.select %gt3A_575, %select_n3A_505, %select_n3A_590 : vector<16xi1>, vector<16xi32>
        %select_n3A_592 = arith.select %gt3A_577, %gather3A_573, %select_n3A_511 : vector<16xi1>, vector<16xf32>
        %select_n3A_593 = arith.select %gt3A_576, %select_n3A_507, %select_n3A_592 : vector<16xi1>, vector<16xf32>
        %select_n3A_594 = arith.select %gt3A_577, %broadcast_in_dim3A_572, %select_n3A_513 : vector<16xi1>, vector<16xi32>
        %select_n3A_595 = arith.select %gt3A_576, %select_n3A_509, %select_n3A_594 : vector<16xi1>, vector<16xi32>
        %select_n3A_596 = arith.select %gt3A_578, %gather3A_573, %select_n3A_515 : vector<16xi1>, vector<16xf32>
        %select_n3A_597 = arith.select %gt3A_577, %select_n3A_511, %select_n3A_596 : vector<16xi1>, vector<16xf32>
        %select_n3A_598 = arith.select %gt3A_578, %broadcast_in_dim3A_572, %select_n3A_517 : vector<16xi1>, vector<16xi32>
        %select_n3A_599 = arith.select %gt3A_577, %select_n3A_513, %select_n3A_598 : vector<16xi1>, vector<16xi32>
        %select_n3A_600 = arith.select %gt3A_579, %gather3A_573, %select_n3A_519 : vector<16xi1>, vector<16xf32>
        %select_n3A_601 = arith.select %gt3A_578, %select_n3A_515, %select_n3A_600 : vector<16xi1>, vector<16xf32>
        %select_n3A_602 = arith.select %gt3A_579, %broadcast_in_dim3A_572, %select_n3A_521 : vector<16xi1>, vector<16xi32>
        %select_n3A_603 = arith.select %gt3A_578, %select_n3A_517, %select_n3A_602 : vector<16xi1>, vector<16xi32>
        %select_n3A_604 = arith.select %gt3A_580, %gather3A_573, %select_n3A_523 : vector<16xi1>, vector<16xf32>
        %select_n3A_605 = arith.select %gt3A_579, %select_n3A_519, %select_n3A_604 : vector<16xi1>, vector<16xf32>
        %select_n3A_606 = arith.select %gt3A_580, %broadcast_in_dim3A_572, %select_n3A_525 : vector<16xi1>, vector<16xi32>
        %select_n3A_607 = arith.select %gt3A_579, %select_n3A_521, %select_n3A_606 : vector<16xi1>, vector<16xi32>
        %select_n3A_608 = arith.select %gt3A_581, %gather3A_573, %select_n3A_527 : vector<16xi1>, vector<16xf32>
        %select_n3A_609 = arith.select %gt3A_580, %select_n3A_523, %select_n3A_608 : vector<16xi1>, vector<16xf32>
        %select_n3A_610 = arith.select %gt3A_581, %broadcast_in_dim3A_572, %select_n3A_529 : vector<16xi1>, vector<16xi32>
        %select_n3A_611 = arith.select %gt3A_580, %select_n3A_525, %select_n3A_610 : vector<16xi1>, vector<16xi32>
        %scan3A_612 = arith.constant 5 : i32
        %scan3A_613 = arith.addi %scan3A_173, %scan3A_612 : i32
        %broadcast_in_dim3A_614 = vector.broadcast %scan3A_613 : i32 to vector<16xi32>
        %gather3A_615 = tpu.vector_load_idx %arg5[%add3A_62, %broadcast_in_dim3A_614] : memref<256x64xf32, #tpu.memory_space<vmem>>[vector<16xi32>, vector<16xi32>], vector<16xf32>,
        %gt3A_616 = arith.cmpf ogt, %gather3A_615, %select_n3A_542 : vector<16xf32>
        %gt3A_617 = arith.cmpf ogt, %gather3A_615, %select_n3A_545 : vector<16xf32>
        %gt3A_618 = arith.cmpf ogt, %gather3A_615, %select_n3A_549 : vector<16xf32>
        %gt3A_619 = arith.cmpf ogt, %gather3A_615, %select_n3A_553 : vector<16xf32>
        %gt3A_620 = arith.cmpf ogt, %gather3A_615, %select_n3A_557 : vector<16xf32>
        %gt3A_621 = arith.cmpf ogt, %gather3A_615, %select_n3A_561 : vector<16xf32>
        %gt3A_622 = arith.cmpf ogt, %gather3A_615, %select_n3A_565 : vector<16xf32>
        %gt3A_623 = arith.cmpf ogt, %gather3A_615, %select_n3A_569 : vector<16xf32>
        %select_n3A_624 = arith.select %gt3A_616, %gather3A_615, %select_n3A_542 : vector<16xi1>, vector<16xf32>
        %select_n3A_625 = arith.select %gt3A_616, %broadcast_in_dim3A_614, %select_n3A_543 : vector<16xi1>, vector<16xi32>
        %select_n3A_626 = arith.select %gt3A_617, %gather3A_615, %select_n3A_545 : vector<16xi1>, vector<16xf32>
        %select_n3A_627 = arith.select %gt3A_616, %select_n3A_542, %select_n3A_626 : vector<16xi1>, vector<16xf32>
        %select_n3A_628 = arith.select %gt3A_617, %broadcast_in_dim3A_614, %select_n3A_547 : vector<16xi1>, vector<16xi32>
        %select_n3A_629 = arith.select %gt3A_616, %select_n3A_543, %select_n3A_628 : vector<16xi1>, vector<16xi32>
        %select_n3A_630 = arith.select %gt3A_618, %gather3A_615, %select_n3A_549 : vector<16xi1>, vector<16xf32>
        %select_n3A_631 = arith.select %gt3A_617, %select_n3A_545, %select_n3A_630 : vector<16xi1>, vector<16xf32>
        %select_n3A_632 = arith.select %gt3A_618, %broadcast_in_dim3A_614, %select_n3A_551 : vector<16xi1>, vector<16xi32>
        %select_n3A_633 = arith.select %gt3A_617, %select_n3A_547, %select_n3A_632 : vector<16xi1>, vector<16xi32>
        %select_n3A_634 = arith.select %gt3A_619, %gather3A_615, %select_n3A_553 : vector<16xi1>, vector<16xf32>
        %select_n3A_635 = arith.select %gt3A_618, %select_n3A_549, %select_n3A_634 : vector<16xi1>, vector<16xf32>
        %select_n3A_636 = arith.select %gt3A_619, %broadcast_in_dim3A_614, %select_n3A_555 : vector<16xi1>, vector<16xi32>
        %select_n3A_637 = arith.select %gt3A_618, %select_n3A_551, %select_n3A_636 : vector<16xi1>, vector<16xi32>
        %select_n3A_638 = arith.select %gt3A_620, %gather3A_615, %select_n3A_557 : vector<16xi1>, vector<16xf32>
        %select_n3A_639 = arith.select %gt3A_619, %select_n3A_553, %select_n3A_638 : vector<16xi1>, vector<16xf32>
        %select_n3A_640 = arith.select %gt3A_620, %broadcast_in_dim3A_614, %select_n3A_559 : vector<16xi1>, vector<16xi32>
        %select_n3A_641 = arith.select %gt3A_619, %select_n3A_555, %select_n3A_640 : vector<16xi1>, vector<16xi32>
        %select_n3A_642 = arith.select %gt3A_621, %gather3A_615, %select_n3A_561 : vector<16xi1>, vector<16xf32>
        %select_n3A_643 = arith.select %gt3A_620, %select_n3A_557, %select_n3A_642 : vector<16xi1>, vector<16xf32>
        %select_n3A_644 = arith.select %gt3A_621, %broadcast_in_dim3A_614, %select_n3A_563 : vector<16xi1>, vector<16xi32>
        %select_n3A_645 = arith.select %gt3A_620, %select_n3A_559, %select_n3A_644 : vector<16xi1>, vector<16xi32>
        %select_n3A_646 = arith.select %gt3A_622, %gather3A_615, %select_n3A_565 : vector<16xi1>, vector<16xf32>
        %select_n3A_647 = arith.select %gt3A_621, %select_n3A_561, %select_n3A_646 : vector<16xi1>, vector<16xf32>
        %select_n3A_648 = arith.select %gt3A_622, %broadcast_in_dim3A_614, %select_n3A_567 : vector<16xi1>, vector<16xi32>
        %select_n3A_649 = arith.select %gt3A_621, %select_n3A_563, %select_n3A_648 : vector<16xi1>, vector<16xi32>
        %select_n3A_650 = arith.select %gt3A_623, %gather3A_615, %select_n3A_569 : vector<16xi1>, vector<16xf32>
        %select_n3A_651 = arith.select %gt3A_622, %select_n3A_565, %select_n3A_650 : vector<16xi1>, vector<16xf32>
        %select_n3A_652 = arith.select %gt3A_623, %broadcast_in_dim3A_614, %select_n3A_571 : vector<16xi1>, vector<16xi32>
        %select_n3A_653 = arith.select %gt3A_622, %select_n3A_567, %select_n3A_652 : vector<16xi1>, vector<16xi32>
        %broadcast_in_dim3A_654 = vector.broadcast %scan3A_613 : i32 to vector<16xi32>
        %gather3A_655 = tpu.vector_load_idx %arg5[%add3A_70, %broadcast_in_dim3A_654] : memref<256x64xf32, #tpu.memory_space<vmem>>[vector<16xi32>, vector<16xi32>], vector<16xf32>,
        %gt3A_656 = arith.cmpf ogt, %gather3A_655, %select_n3A_582 : vector<16xf32>
        %gt3A_657 = arith.cmpf ogt, %gather3A_655, %select_n3A_585 : vector<16xf32>
        %gt3A_658 = arith.cmpf ogt, %gather3A_655, %select_n3A_589 : vector<16xf32>
        %gt3A_659 = arith.cmpf ogt, %gather3A_655, %select_n3A_593 : vector<16xf32>
        %gt3A_660 = arith.cmpf ogt, %gather3A_655, %select_n3A_597 : vector<16xf32>
        %gt3A_661 = arith.cmpf ogt, %gather3A_655, %select_n3A_601 : vector<16xf32>
        %gt3A_662 = arith.cmpf ogt, %gather3A_655, %select_n3A_605 : vector<16xf32>
        %gt3A_663 = arith.cmpf ogt, %gather3A_655, %select_n3A_609 : vector<16xf32>
        %select_n3A_664 = arith.select %gt3A_656, %gather3A_655, %select_n3A_582 : vector<16xi1>, vector<16xf32>
        %select_n3A_665 = arith.select %gt3A_656, %broadcast_in_dim3A_654, %select_n3A_583 : vector<16xi1>, vector<16xi32>
        %select_n3A_666 = arith.select %gt3A_657, %gather3A_655, %select_n3A_585 : vector<16xi1>, vector<16xf32>
        %select_n3A_667 = arith.select %gt3A_656, %select_n3A_582, %select_n3A_666 : vector<16xi1>, vector<16xf32>
        %select_n3A_668 = arith.select %gt3A_657, %broadcast_in_dim3A_654, %select_n3A_587 : vector<16xi1>, vector<16xi32>
        %select_n3A_669 = arith.select %gt3A_656, %select_n3A_583, %select_n3A_668 : vector<16xi1>, vector<16xi32>
        %select_n3A_670 = arith.select %gt3A_658, %gather3A_655, %select_n3A_589 : vector<16xi1>, vector<16xf32>
        %select_n3A_671 = arith.select %gt3A_657, %select_n3A_585, %select_n3A_670 : vector<16xi1>, vector<16xf32>
        %select_n3A_672 = arith.select %gt3A_658, %broadcast_in_dim3A_654, %select_n3A_591 : vector<16xi1>, vector<16xi32>
        %select_n3A_673 = arith.select %gt3A_657, %select_n3A_587, %select_n3A_672 : vector<16xi1>, vector<16xi32>
        %select_n3A_674 = arith.select %gt3A_659, %gather3A_655, %select_n3A_593 : vector<16xi1>, vector<16xf32>
        %select_n3A_675 = arith.select %gt3A_658, %select_n3A_589, %select_n3A_674 : vector<16xi1>, vector<16xf32>
        %select_n3A_676 = arith.select %gt3A_659, %broadcast_in_dim3A_654, %select_n3A_595 : vector<16xi1>, vector<16xi32>
        %select_n3A_677 = arith.select %gt3A_658, %select_n3A_591, %select_n3A_676 : vector<16xi1>, vector<16xi32>
        %select_n3A_678 = arith.select %gt3A_660, %gather3A_655, %select_n3A_597 : vector<16xi1>, vector<16xf32>
        %select_n3A_679 = arith.select %gt3A_659, %select_n3A_593, %select_n3A_678 : vector<16xi1>, vector<16xf32>
        %select_n3A_680 = arith.select %gt3A_660, %broadcast_in_dim3A_654, %select_n3A_599 : vector<16xi1>, vector<16xi32>
        %select_n3A_681 = arith.select %gt3A_659, %select_n3A_595, %select_n3A_680 : vector<16xi1>, vector<16xi32>
        %select_n3A_682 = arith.select %gt3A_661, %gather3A_655, %select_n3A_601 : vector<16xi1>, vector<16xf32>
        %select_n3A_683 = arith.select %gt3A_660, %select_n3A_597, %select_n3A_682 : vector<16xi1>, vector<16xf32>
        %select_n3A_684 = arith.select %gt3A_661, %broadcast_in_dim3A_654, %select_n3A_603 : vector<16xi1>, vector<16xi32>
        %select_n3A_685 = arith.select %gt3A_660, %select_n3A_599, %select_n3A_684 : vector<16xi1>, vector<16xi32>
        %select_n3A_686 = arith.select %gt3A_662, %gather3A_655, %select_n3A_605 : vector<16xi1>, vector<16xf32>
        %select_n3A_687 = arith.select %gt3A_661, %select_n3A_601, %select_n3A_686 : vector<16xi1>, vector<16xf32>
        %select_n3A_688 = arith.select %gt3A_662, %broadcast_in_dim3A_654, %select_n3A_607 : vector<16xi1>, vector<16xi32>
        %select_n3A_689 = arith.select %gt3A_661, %select_n3A_603, %select_n3A_688 : vector<16xi1>, vector<16xi32>
        %select_n3A_690 = arith.select %gt3A_663, %gather3A_655, %select_n3A_609 : vector<16xi1>, vector<16xf32>
        %select_n3A_691 = arith.select %gt3A_662, %select_n3A_605, %select_n3A_690 : vector<16xi1>, vector<16xf32>
        %select_n3A_692 = arith.select %gt3A_663, %broadcast_in_dim3A_654, %select_n3A_611 : vector<16xi1>, vector<16xi32>
        %select_n3A_693 = arith.select %gt3A_662, %select_n3A_607, %select_n3A_692 : vector<16xi1>, vector<16xi32>
        %scan3A_694 = arith.constant 6 : i32
        %scan3A_695 = arith.addi %scan3A_173, %scan3A_694 : i32
        %broadcast_in_dim3A_696 = vector.broadcast %scan3A_695 : i32 to vector<16xi32>
        %gather3A_697 = tpu.vector_load_idx %arg5[%add3A_62, %broadcast_in_dim3A_696] : memref<256x64xf32, #tpu.memory_space<vmem>>[vector<16xi32>, vector<16xi32>], vector<16xf32>,
        %gt3A_698 = arith.cmpf ogt, %gather3A_697, %select_n3A_624 : vector<16xf32>
        %gt3A_699 = arith.cmpf ogt, %gather3A_697, %select_n3A_627 : vector<16xf32>
        %gt3A_700 = arith.cmpf ogt, %gather3A_697, %select_n3A_631 : vector<16xf32>
        %gt3A_701 = arith.cmpf ogt, %gather3A_697, %select_n3A_635 : vector<16xf32>
        %gt3A_702 = arith.cmpf ogt, %gather3A_697, %select_n3A_639 : vector<16xf32>
        %gt3A_703 = arith.cmpf ogt, %gather3A_697, %select_n3A_643 : vector<16xf32>
        %gt3A_704 = arith.cmpf ogt, %gather3A_697, %select_n3A_647 : vector<16xf32>
        %gt3A_705 = arith.cmpf ogt, %gather3A_697, %select_n3A_651 : vector<16xf32>
        %select_n3A_706 = arith.select %gt3A_698, %gather3A_697, %select_n3A_624 : vector<16xi1>, vector<16xf32>
        %select_n3A_707 = arith.select %gt3A_698, %broadcast_in_dim3A_696, %select_n3A_625 : vector<16xi1>, vector<16xi32>
        %select_n3A_708 = arith.select %gt3A_699, %gather3A_697, %select_n3A_627 : vector<16xi1>, vector<16xf32>
        %select_n3A_709 = arith.select %gt3A_698, %select_n3A_624, %select_n3A_708 : vector<16xi1>, vector<16xf32>
        %select_n3A_710 = arith.select %gt3A_699, %broadcast_in_dim3A_696, %select_n3A_629 : vector<16xi1>, vector<16xi32>
        %select_n3A_711 = arith.select %gt3A_698, %select_n3A_625, %select_n3A_710 : vector<16xi1>, vector<16xi32>
        %select_n3A_712 = arith.select %gt3A_700, %gather3A_697, %select_n3A_631 : vector<16xi1>, vector<16xf32>
        %select_n3A_713 = arith.select %gt3A_699, %select_n3A_627, %select_n3A_712 : vector<16xi1>, vector<16xf32>
        %select_n3A_714 = arith.select %gt3A_700, %broadcast_in_dim3A_696, %select_n3A_633 : vector<16xi1>, vector<16xi32>
        %select_n3A_715 = arith.select %gt3A_699, %select_n3A_629, %select_n3A_714 : vector<16xi1>, vector<16xi32>
        %select_n3A_716 = arith.select %gt3A_701, %gather3A_697, %select_n3A_635 : vector<16xi1>, vector<16xf32>
        %select_n3A_717 = arith.select %gt3A_700, %select_n3A_631, %select_n3A_716 : vector<16xi1>, vector<16xf32>
        %select_n3A_718 = arith.select %gt3A_701, %broadcast_in_dim3A_696, %select_n3A_637 : vector<16xi1>, vector<16xi32>
        %select_n3A_719 = arith.select %gt3A_700, %select_n3A_633, %select_n3A_718 : vector<16xi1>, vector<16xi32>
        %select_n3A_720 = arith.select %gt3A_702, %gather3A_697, %select_n3A_639 : vector<16xi1>, vector<16xf32>
        %select_n3A_721 = arith.select %gt3A_701, %select_n3A_635, %select_n3A_720 : vector<16xi1>, vector<16xf32>
        %select_n3A_722 = arith.select %gt3A_702, %broadcast_in_dim3A_696, %select_n3A_641 : vector<16xi1>, vector<16xi32>
        %select_n3A_723 = arith.select %gt3A_701, %select_n3A_637, %select_n3A_722 : vector<16xi1>, vector<16xi32>
        %select_n3A_724 = arith.select %gt3A_703, %gather3A_697, %select_n3A_643 : vector<16xi1>, vector<16xf32>
        %select_n3A_725 = arith.select %gt3A_702, %select_n3A_639, %select_n3A_724 : vector<16xi1>, vector<16xf32>
        %select_n3A_726 = arith.select %gt3A_703, %broadcast_in_dim3A_696, %select_n3A_645 : vector<16xi1>, vector<16xi32>
        %select_n3A_727 = arith.select %gt3A_702, %select_n3A_641, %select_n3A_726 : vector<16xi1>, vector<16xi32>
        %select_n3A_728 = arith.select %gt3A_704, %gather3A_697, %select_n3A_647 : vector<16xi1>, vector<16xf32>
        %select_n3A_729 = arith.select %gt3A_703, %select_n3A_643, %select_n3A_728 : vector<16xi1>, vector<16xf32>
        %select_n3A_730 = arith.select %gt3A_704, %broadcast_in_dim3A_696, %select_n3A_649 : vector<16xi1>, vector<16xi32>
        %select_n3A_731 = arith.select %gt3A_703, %select_n3A_645, %select_n3A_730 : vector<16xi1>, vector<16xi32>
        %select_n3A_732 = arith.select %gt3A_705, %gather3A_697, %select_n3A_651 : vector<16xi1>, vector<16xf32>
        %select_n3A_733 = arith.select %gt3A_704, %select_n3A_647, %select_n3A_732 : vector<16xi1>, vector<16xf32>
        %select_n3A_734 = arith.select %gt3A_705, %broadcast_in_dim3A_696, %select_n3A_653 : vector<16xi1>, vector<16xi32>
        %select_n3A_735 = arith.select %gt3A_704, %select_n3A_649, %select_n3A_734 : vector<16xi1>, vector<16xi32>
        %broadcast_in_dim3A_736 = vector.broadcast %scan3A_695 : i32 to vector<16xi32>
        %gather3A_737 = tpu.vector_load_idx %arg5[%add3A_70, %broadcast_in_dim3A_736] : memref<256x64xf32, #tpu.memory_space<vmem>>[vector<16xi32>, vector<16xi32>], vector<16xf32>,
        %gt3A_738 = arith.cmpf ogt, %gather3A_737, %select_n3A_664 : vector<16xf32>
        %gt3A_739 = arith.cmpf ogt, %gather3A_737, %select_n3A_667 : vector<16xf32>
        %gt3A_740 = arith.cmpf ogt, %gather3A_737, %select_n3A_671 : vector<16xf32>
        %gt3A_741 = arith.cmpf ogt, %gather3A_737, %select_n3A_675 : vector<16xf32>
        %gt3A_742 = arith.cmpf ogt, %gather3A_737, %select_n3A_679 : vector<16xf32>
        %gt3A_743 = arith.cmpf ogt, %gather3A_737, %select_n3A_683 : vector<16xf32>
        %gt3A_744 = arith.cmpf ogt, %gather3A_737, %select_n3A_687 : vector<16xf32>
        %gt3A_745 = arith.cmpf ogt, %gather3A_737, %select_n3A_691 : vector<16xf32>
        %select_n3A_746 = arith.select %gt3A_738, %gather3A_737, %select_n3A_664 : vector<16xi1>, vector<16xf32>
        %select_n3A_747 = arith.select %gt3A_738, %broadcast_in_dim3A_736, %select_n3A_665 : vector<16xi1>, vector<16xi32>
        %select_n3A_748 = arith.select %gt3A_739, %gather3A_737, %select_n3A_667 : vector<16xi1>, vector<16xf32>
        %select_n3A_749 = arith.select %gt3A_738, %select_n3A_664, %select_n3A_748 : vector<16xi1>, vector<16xf32>
        %select_n3A_750 = arith.select %gt3A_739, %broadcast_in_dim3A_736, %select_n3A_669 : vector<16xi1>, vector<16xi32>
        %select_n3A_751 = arith.select %gt3A_738, %select_n3A_665, %select_n3A_750 : vector<16xi1>, vector<16xi32>
        %select_n3A_752 = arith.select %gt3A_740, %gather3A_737, %select_n3A_671 : vector<16xi1>, vector<16xf32>
        %select_n3A_753 = arith.select %gt3A_739, %select_n3A_667, %select_n3A_752 : vector<16xi1>, vector<16xf32>
        %select_n3A_754 = arith.select %gt3A_740, %broadcast_in_dim3A_736, %select_n3A_673 : vector<16xi1>, vector<16xi32>
        %select_n3A_755 = arith.select %gt3A_739, %select_n3A_669, %select_n3A_754 : vector<16xi1>, vector<16xi32>
        %select_n3A_756 = arith.select %gt3A_741, %gather3A_737, %select_n3A_675 : vector<16xi1>, vector<16xf32>
        %select_n3A_757 = arith.select %gt3A_740, %select_n3A_671, %select_n3A_756 : vector<16xi1>, vector<16xf32>
        %select_n3A_758 = arith.select %gt3A_741, %broadcast_in_dim3A_736, %select_n3A_677 : vector<16xi1>, vector<16xi32>
        %select_n3A_759 = arith.select %gt3A_740, %select_n3A_673, %select_n3A_758 : vector<16xi1>, vector<16xi32>
        %select_n3A_760 = arith.select %gt3A_742, %gather3A_737, %select_n3A_679 : vector<16xi1>, vector<16xf32>
        %select_n3A_761 = arith.select %gt3A_741, %select_n3A_675, %select_n3A_760 : vector<16xi1>, vector<16xf32>
        %select_n3A_762 = arith.select %gt3A_742, %broadcast_in_dim3A_736, %select_n3A_681 : vector<16xi1>, vector<16xi32>
        %select_n3A_763 = arith.select %gt3A_741, %select_n3A_677, %select_n3A_762 : vector<16xi1>, vector<16xi32>
        %select_n3A_764 = arith.select %gt3A_743, %gather3A_737, %select_n3A_683 : vector<16xi1>, vector<16xf32>
        %select_n3A_765 = arith.select %gt3A_742, %select_n3A_679, %select_n3A_764 : vector<16xi1>, vector<16xf32>
        %select_n3A_766 = arith.select %gt3A_743, %broadcast_in_dim3A_736, %select_n3A_685 : vector<16xi1>, vector<16xi32>
        %select_n3A_767 = arith.select %gt3A_742, %select_n3A_681, %select_n3A_766 : vector<16xi1>, vector<16xi32>
        %select_n3A_768 = arith.select %gt3A_744, %gather3A_737, %select_n3A_687 : vector<16xi1>, vector<16xf32>
        %select_n3A_769 = arith.select %gt3A_743, %select_n3A_683, %select_n3A_768 : vector<16xi1>, vector<16xf32>
        %select_n3A_770 = arith.select %gt3A_744, %broadcast_in_dim3A_736, %select_n3A_689 : vector<16xi1>, vector<16xi32>
        %select_n3A_771 = arith.select %gt3A_743, %select_n3A_685, %select_n3A_770 : vector<16xi1>, vector<16xi32>
        %select_n3A_772 = arith.select %gt3A_745, %gather3A_737, %select_n3A_691 : vector<16xi1>, vector<16xf32>
        %select_n3A_773 = arith.select %gt3A_744, %select_n3A_687, %select_n3A_772 : vector<16xi1>, vector<16xf32>
        %select_n3A_774 = arith.select %gt3A_745, %broadcast_in_dim3A_736, %select_n3A_693 : vector<16xi1>, vector<16xi32>
        %select_n3A_775 = arith.select %gt3A_744, %select_n3A_689, %select_n3A_774 : vector<16xi1>, vector<16xi32>
        %scan3A_776 = arith.constant 7 : i32
        %scan3A_777 = arith.addi %scan3A_173, %scan3A_776 : i32
        %broadcast_in_dim3A_778 = vector.broadcast %scan3A_777 : i32 to vector<16xi32>
        %gather3A_779 = tpu.vector_load_idx %arg5[%add3A_62, %broadcast_in_dim3A_778] : memref<256x64xf32, #tpu.memory_space<vmem>>[vector<16xi32>, vector<16xi32>], vector<16xf32>,
        %gt3A_780 = arith.cmpf ogt, %gather3A_779, %select_n3A_706 : vector<16xf32>
        %gt3A_781 = arith.cmpf ogt, %gather3A_779, %select_n3A_709 : vector<16xf32>
        %gt3A_782 = arith.cmpf ogt, %gather3A_779, %select_n3A_713 : vector<16xf32>
        %gt3A_783 = arith.cmpf ogt, %gather3A_779, %select_n3A_717 : vector<16xf32>
        %gt3A_784 = arith.cmpf ogt, %gather3A_779, %select_n3A_721 : vector<16xf32>
        %gt3A_785 = arith.cmpf ogt, %gather3A_779, %select_n3A_725 : vector<16xf32>
        %gt3A_786 = arith.cmpf ogt, %gather3A_779, %select_n3A_729 : vector<16xf32>
        %gt3A_787 = arith.cmpf ogt, %gather3A_779, %select_n3A_733 : vector<16xf32>
        %select_n3A_788 = arith.select %gt3A_780, %gather3A_779, %select_n3A_706 : vector<16xi1>, vector<16xf32>
        %select_n3A_789 = arith.select %gt3A_780, %broadcast_in_dim3A_778, %select_n3A_707 : vector<16xi1>, vector<16xi32>
        %select_n3A_790 = arith.select %gt3A_781, %gather3A_779, %select_n3A_709 : vector<16xi1>, vector<16xf32>
        %select_n3A_791 = arith.select %gt3A_780, %select_n3A_706, %select_n3A_790 : vector<16xi1>, vector<16xf32>
        %select_n3A_792 = arith.select %gt3A_781, %broadcast_in_dim3A_778, %select_n3A_711 : vector<16xi1>, vector<16xi32>
        %select_n3A_793 = arith.select %gt3A_780, %select_n3A_707, %select_n3A_792 : vector<16xi1>, vector<16xi32>
        %select_n3A_794 = arith.select %gt3A_782, %gather3A_779, %select_n3A_713 : vector<16xi1>, vector<16xf32>
        %select_n3A_795 = arith.select %gt3A_781, %select_n3A_709, %select_n3A_794 : vector<16xi1>, vector<16xf32>
        %select_n3A_796 = arith.select %gt3A_782, %broadcast_in_dim3A_778, %select_n3A_715 : vector<16xi1>, vector<16xi32>
        %select_n3A_797 = arith.select %gt3A_781, %select_n3A_711, %select_n3A_796 : vector<16xi1>, vector<16xi32>
        %select_n3A_798 = arith.select %gt3A_783, %gather3A_779, %select_n3A_717 : vector<16xi1>, vector<16xf32>
        %select_n3A_799 = arith.select %gt3A_782, %select_n3A_713, %select_n3A_798 : vector<16xi1>, vector<16xf32>
        %select_n3A_800 = arith.select %gt3A_783, %broadcast_in_dim3A_778, %select_n3A_719 : vector<16xi1>, vector<16xi32>
        %select_n3A_801 = arith.select %gt3A_782, %select_n3A_715, %select_n3A_800 : vector<16xi1>, vector<16xi32>
        %select_n3A_802 = arith.select %gt3A_784, %gather3A_779, %select_n3A_721 : vector<16xi1>, vector<16xf32>
        %select_n3A_803 = arith.select %gt3A_783, %select_n3A_717, %select_n3A_802 : vector<16xi1>, vector<16xf32>
        %select_n3A_804 = arith.select %gt3A_784, %broadcast_in_dim3A_778, %select_n3A_723 : vector<16xi1>, vector<16xi32>
        %select_n3A_805 = arith.select %gt3A_783, %select_n3A_719, %select_n3A_804 : vector<16xi1>, vector<16xi32>
        %select_n3A_806 = arith.select %gt3A_785, %gather3A_779, %select_n3A_725 : vector<16xi1>, vector<16xf32>
        %select_n3A_807 = arith.select %gt3A_784, %select_n3A_721, %select_n3A_806 : vector<16xi1>, vector<16xf32>
        %select_n3A_808 = arith.select %gt3A_785, %broadcast_in_dim3A_778, %select_n3A_727 : vector<16xi1>, vector<16xi32>
        %select_n3A_809 = arith.select %gt3A_784, %select_n3A_723, %select_n3A_808 : vector<16xi1>, vector<16xi32>
        %select_n3A_810 = arith.select %gt3A_786, %gather3A_779, %select_n3A_729 : vector<16xi1>, vector<16xf32>
        %select_n3A_811 = arith.select %gt3A_785, %select_n3A_725, %select_n3A_810 : vector<16xi1>, vector<16xf32>
        %select_n3A_812 = arith.select %gt3A_786, %broadcast_in_dim3A_778, %select_n3A_731 : vector<16xi1>, vector<16xi32>
        %select_n3A_813 = arith.select %gt3A_785, %select_n3A_727, %select_n3A_812 : vector<16xi1>, vector<16xi32>
        %select_n3A_814 = arith.select %gt3A_787, %gather3A_779, %select_n3A_733 : vector<16xi1>, vector<16xf32>
        %select_n3A_815 = arith.select %gt3A_786, %select_n3A_729, %select_n3A_814 : vector<16xi1>, vector<16xf32>
        %select_n3A_816 = arith.select %gt3A_787, %broadcast_in_dim3A_778, %select_n3A_735 : vector<16xi1>, vector<16xi32>
        %select_n3A_817 = arith.select %gt3A_786, %select_n3A_731, %select_n3A_816 : vector<16xi1>, vector<16xi32>
        %broadcast_in_dim3A_818 = vector.broadcast %scan3A_777 : i32 to vector<16xi32>
        %gather3A_819 = tpu.vector_load_idx %arg5[%add3A_70, %broadcast_in_dim3A_818] : memref<256x64xf32, #tpu.memory_space<vmem>>[vector<16xi32>, vector<16xi32>], vector<16xf32>,
        %gt3A_820 = arith.cmpf ogt, %gather3A_819, %select_n3A_746 : vector<16xf32>
        %gt3A_821 = arith.cmpf ogt, %gather3A_819, %select_n3A_749 : vector<16xf32>
        %gt3A_822 = arith.cmpf ogt, %gather3A_819, %select_n3A_753 : vector<16xf32>
        %gt3A_823 = arith.cmpf ogt, %gather3A_819, %select_n3A_757 : vector<16xf32>
        %gt3A_824 = arith.cmpf ogt, %gather3A_819, %select_n3A_761 : vector<16xf32>
        %gt3A_825 = arith.cmpf ogt, %gather3A_819, %select_n3A_765 : vector<16xf32>
        %gt3A_826 = arith.cmpf ogt, %gather3A_819, %select_n3A_769 : vector<16xf32>
        %gt3A_827 = arith.cmpf ogt, %gather3A_819, %select_n3A_773 : vector<16xf32>
        %select_n3A_828 = arith.select %gt3A_820, %gather3A_819, %select_n3A_746 : vector<16xi1>, vector<16xf32>
        %select_n3A_829 = arith.select %gt3A_820, %broadcast_in_dim3A_818, %select_n3A_747 : vector<16xi1>, vector<16xi32>
        %select_n3A_830 = arith.select %gt3A_821, %gather3A_819, %select_n3A_749 : vector<16xi1>, vector<16xf32>
        %select_n3A_831 = arith.select %gt3A_820, %select_n3A_746, %select_n3A_830 : vector<16xi1>, vector<16xf32>
        %select_n3A_832 = arith.select %gt3A_821, %broadcast_in_dim3A_818, %select_n3A_751 : vector<16xi1>, vector<16xi32>
        %select_n3A_833 = arith.select %gt3A_820, %select_n3A_747, %select_n3A_832 : vector<16xi1>, vector<16xi32>
        %select_n3A_834 = arith.select %gt3A_822, %gather3A_819, %select_n3A_753 : vector<16xi1>, vector<16xf32>
        %select_n3A_835 = arith.select %gt3A_821, %select_n3A_749, %select_n3A_834 : vector<16xi1>, vector<16xf32>
        %select_n3A_836 = arith.select %gt3A_822, %broadcast_in_dim3A_818, %select_n3A_755 : vector<16xi1>, vector<16xi32>
        %select_n3A_837 = arith.select %gt3A_821, %select_n3A_751, %select_n3A_836 : vector<16xi1>, vector<16xi32>
        %select_n3A_838 = arith.select %gt3A_823, %gather3A_819, %select_n3A_757 : vector<16xi1>, vector<16xf32>
        %select_n3A_839 = arith.select %gt3A_822, %select_n3A_753, %select_n3A_838 : vector<16xi1>, vector<16xf32>
        %select_n3A_840 = arith.select %gt3A_823, %broadcast_in_dim3A_818, %select_n3A_759 : vector<16xi1>, vector<16xi32>
        %select_n3A_841 = arith.select %gt3A_822, %select_n3A_755, %select_n3A_840 : vector<16xi1>, vector<16xi32>
        %select_n3A_842 = arith.select %gt3A_824, %gather3A_819, %select_n3A_761 : vector<16xi1>, vector<16xf32>
        %select_n3A_843 = arith.select %gt3A_823, %select_n3A_757, %select_n3A_842 : vector<16xi1>, vector<16xf32>
        %select_n3A_844 = arith.select %gt3A_824, %broadcast_in_dim3A_818, %select_n3A_763 : vector<16xi1>, vector<16xi32>
        %select_n3A_845 = arith.select %gt3A_823, %select_n3A_759, %select_n3A_844 : vector<16xi1>, vector<16xi32>
        %select_n3A_846 = arith.select %gt3A_825, %gather3A_819, %select_n3A_765 : vector<16xi1>, vector<16xf32>
        %select_n3A_847 = arith.select %gt3A_824, %select_n3A_761, %select_n3A_846 : vector<16xi1>, vector<16xf32>
        %select_n3A_848 = arith.select %gt3A_825, %broadcast_in_dim3A_818, %select_n3A_767 : vector<16xi1>, vector<16xi32>
        %select_n3A_849 = arith.select %gt3A_824, %select_n3A_763, %select_n3A_848 : vector<16xi1>, vector<16xi32>
        %select_n3A_850 = arith.select %gt3A_826, %gather3A_819, %select_n3A_769 : vector<16xi1>, vector<16xf32>
        %select_n3A_851 = arith.select %gt3A_825, %select_n3A_765, %select_n3A_850 : vector<16xi1>, vector<16xf32>
        %select_n3A_852 = arith.select %gt3A_826, %broadcast_in_dim3A_818, %select_n3A_771 : vector<16xi1>, vector<16xi32>
        %select_n3A_853 = arith.select %gt3A_825, %select_n3A_767, %select_n3A_852 : vector<16xi1>, vector<16xi32>
        %select_n3A_854 = arith.select %gt3A_827, %gather3A_819, %select_n3A_773 : vector<16xi1>, vector<16xf32>
        %select_n3A_855 = arith.select %gt3A_826, %select_n3A_769, %select_n3A_854 : vector<16xi1>, vector<16xf32>
        %select_n3A_856 = arith.select %gt3A_827, %broadcast_in_dim3A_818, %select_n3A_775 : vector<16xi1>, vector<16xi32>
        %select_n3A_857 = arith.select %gt3A_826, %select_n3A_771, %select_n3A_856 : vector<16xi1>, vector<16xi32>
        scf.yield %select_n3A_788, %select_n3A_791, %select_n3A_795, %select_n3A_799, %select_n3A_803, %select_n3A_807, %select_n3A_811, %select_n3A_815, %select_n3A_789, %select_n3A_793, %select_n3A_797, %select_n3A_801, %select_n3A_805, %select_n3A_809, %select_n3A_813, %select_n3A_817, %select_n3A_828, %select_n3A_831, %select_n3A_835, %select_n3A_839, %select_n3A_843, %select_n3A_847, %select_n3A_851, %select_n3A_855, %select_n3A_829, %select_n3A_833, %select_n3A_837, %select_n3A_841, %select_n3A_845, %select_n3A_849, %select_n3A_853, %select_n3A_857 : vector<16xf32>, vector<16xf32>, vector<16xf32>, vector<16xf32>, vector<16xf32>, vector<16xf32>, vector<16xf32>, vector<16xf32>, vector<16xi32>, vector<16xi32>, vector<16xi32>, vector<16xi32>, vector<16xi32>, vector<16xi32>, vector<16xi32>, vector<16xi32>, vector<16xf32>, vector<16xf32>, vector<16xf32>, vector<16xf32>, vector<16xf32>, vector<16xf32>, vector<16xf32>, vector<16xf32>, vector<16xi32>, vector<16xi32>, vector<16xi32>, vector<16xi32>, vector<16xi32>, vector<16xi32>, vector<16xi32>, vector<16xi32>
      }
      %scan3A_79 = arith.constant 64 : i32
      %sub3A_80 = arith.subf %scan3A_78#0, %scan3A_78#0 : vector<16xf32>
      %exp3A = math.exp %sub3A_80 : vector<16xf32>
      %sub3A_81 = arith.subf %scan3A_78#1, %scan3A_78#0 : vector<16xf32>
      %exp3A_82 = math.exp %sub3A_81 : vector<16xf32>
      %sub3A_83 = arith.subf %scan3A_78#2, %scan3A_78#0 : vector<16xf32>
      %exp3A_84 = math.exp %sub3A_83 : vector<16xf32>
      %sub3A_85 = arith.subf %scan3A_78#3, %scan3A_78#0 : vector<16xf32>
      %exp3A_86 = math.exp %sub3A_85 : vector<16xf32>
      %sub3A_87 = arith.subf %scan3A_78#4, %scan3A_78#0 : vector<16xf32>
      %exp3A_88 = math.exp %sub3A_87 : vector<16xf32>
      %sub3A_89 = arith.subf %scan3A_78#5, %scan3A_78#0 : vector<16xf32>
      %exp3A_90 = math.exp %sub3A_89 : vector<16xf32>
      %sub3A_91 = arith.subf %scan3A_78#6, %scan3A_78#0 : vector<16xf32>
      %exp3A_92 = math.exp %sub3A_91 : vector<16xf32>
      %sub3A_93 = arith.subf %scan3A_78#7, %scan3A_78#0 : vector<16xf32>
      %exp3A_94 = math.exp %sub3A_93 : vector<16xf32>
      %add3A_95 = arith.addf %exp3A, %exp3A_82 : vector<16xf32>
      %add3A_96 = arith.addf %add3A_95, %exp3A_84 : vector<16xf32>
      %add3A_97 = arith.addf %add3A_96, %exp3A_86 : vector<16xf32>
      %add3A_98 = arith.addf %add3A_97, %exp3A_88 : vector<16xf32>
      %add3A_99 = arith.addf %add3A_98, %exp3A_90 : vector<16xf32>
      %add3A_100 = arith.addf %add3A_99, %exp3A_92 : vector<16xf32>
      %add3A_101 = arith.addf %add3A_100, %exp3A_94 : vector<16xf32>
      %div3A_102 = arith.divf %exp3A, %add3A_101 : vector<16xf32>
      tpu.vector_store_idx %arg6[%add3A_62, %scan3A_78#8], %div3A_102 : memref<256x64xf32, #tpu.memory_space<vmem>>[vector<16xi32>, vector<16xi32>], vector<16xf32>,
      %broadcast_in_dim3A_103 = arith.constant 0 : i32
      %broadcast_in_dim3A_104 = vector.broadcast %broadcast_in_dim3A_103 : i32 to vector<16xi32>
      tpu.vector_store_idx %arg7[%add3A_62, %broadcast_in_dim3A_104], %scan3A_78#8 : memref<256x8xi32, #tpu.memory_space<vmem>>[vector<16xi32>, vector<16xi32>], vector<16xi32>,
      %div3A_105 = arith.divf %exp3A_82, %add3A_101 : vector<16xf32>
      tpu.vector_store_idx %arg6[%add3A_62, %scan3A_78#9], %div3A_105 : memref<256x64xf32, #tpu.memory_space<vmem>>[vector<16xi32>, vector<16xi32>], vector<16xf32>,
      %broadcast_in_dim3A_106 = arith.constant 1 : i32
      %broadcast_in_dim3A_107 = vector.broadcast %broadcast_in_dim3A_106 : i32 to vector<16xi32>
      tpu.vector_store_idx %arg7[%add3A_62, %broadcast_in_dim3A_107], %scan3A_78#9 : memref<256x8xi32, #tpu.memory_space<vmem>>[vector<16xi32>, vector<16xi32>], vector<16xi32>,
      %div3A_108 = arith.divf %exp3A_84, %add3A_101 : vector<16xf32>
      tpu.vector_store_idx %arg6[%add3A_62, %scan3A_78#10], %div3A_108 : memref<256x64xf32, #tpu.memory_space<vmem>>[vector<16xi32>, vector<16xi32>], vector<16xf32>,
      %broadcast_in_dim3A_109 = arith.constant 2 : i32
      %broadcast_in_dim3A_110 = vector.broadcast %broadcast_in_dim3A_109 : i32 to vector<16xi32>
      tpu.vector_store_idx %arg7[%add3A_62, %broadcast_in_dim3A_110], %scan3A_78#10 : memref<256x8xi32, #tpu.memory_space<vmem>>[vector<16xi32>, vector<16xi32>], vector<16xi32>,
      %div3A_111 = arith.divf %exp3A_86, %add3A_101 : vector<16xf32>
      tpu.vector_store_idx %arg6[%add3A_62, %scan3A_78#11], %div3A_111 : memref<256x64xf32, #tpu.memory_space<vmem>>[vector<16xi32>, vector<16xi32>], vector<16xf32>,
      %broadcast_in_dim3A_112 = arith.constant 3 : i32
      %broadcast_in_dim3A_113 = vector.broadcast %broadcast_in_dim3A_112 : i32 to vector<16xi32>
      tpu.vector_store_idx %arg7[%add3A_62, %broadcast_in_dim3A_113], %scan3A_78#11 : memref<256x8xi32, #tpu.memory_space<vmem>>[vector<16xi32>, vector<16xi32>], vector<16xi32>,
      %div3A_114 = arith.divf %exp3A_88, %add3A_101 : vector<16xf32>
      tpu.vector_store_idx %arg6[%add3A_62, %scan3A_78#12], %div3A_114 : memref<256x64xf32, #tpu.memory_space<vmem>>[vector<16xi32>, vector<16xi32>], vector<16xf32>,
      %broadcast_in_dim3A_115 = arith.constant 4 : i32
      %broadcast_in_dim3A_116 = vector.broadcast %broadcast_in_dim3A_115 : i32 to vector<16xi32>
      tpu.vector_store_idx %arg7[%add3A_62, %broadcast_in_dim3A_116], %scan3A_78#12 : memref<256x8xi32, #tpu.memory_space<vmem>>[vector<16xi32>, vector<16xi32>], vector<16xi32>,
      %div3A_117 = arith.divf %exp3A_90, %add3A_101 : vector<16xf32>
      tpu.vector_store_idx %arg6[%add3A_62, %scan3A_78#13], %div3A_117 : memref<256x64xf32, #tpu.memory_space<vmem>>[vector<16xi32>, vector<16xi32>], vector<16xf32>,
      %broadcast_in_dim3A_118 = arith.constant 5 : i32
      %broadcast_in_dim3A_119 = vector.broadcast %broadcast_in_dim3A_118 : i32 to vector<16xi32>
      tpu.vector_store_idx %arg7[%add3A_62, %broadcast_in_dim3A_119], %scan3A_78#13 : memref<256x8xi32, #tpu.memory_space<vmem>>[vector<16xi32>, vector<16xi32>], vector<16xi32>,
      %div3A_120 = arith.divf %exp3A_92, %add3A_101 : vector<16xf32>
      tpu.vector_store_idx %arg6[%add3A_62, %scan3A_78#14], %div3A_120 : memref<256x64xf32, #tpu.memory_space<vmem>>[vector<16xi32>, vector<16xi32>], vector<16xf32>,
      %broadcast_in_dim3A_121 = arith.constant 6 : i32
      %broadcast_in_dim3A_122 = vector.broadcast %broadcast_in_dim3A_121 : i32 to vector<16xi32>
      tpu.vector_store_idx %arg7[%add3A_62, %broadcast_in_dim3A_122], %scan3A_78#14 : memref<256x8xi32, #tpu.memory_space<vmem>>[vector<16xi32>, vector<16xi32>], vector<16xi32>,
      %div3A_123 = arith.divf %exp3A_94, %add3A_101 : vector<16xf32>
      tpu.vector_store_idx %arg6[%add3A_62, %scan3A_78#15], %div3A_123 : memref<256x64xf32, #tpu.memory_space<vmem>>[vector<16xi32>, vector<16xi32>], vector<16xf32>,
      %broadcast_in_dim3A_124 = arith.constant 7 : i32
      %broadcast_in_dim3A_125 = vector.broadcast %broadcast_in_dim3A_124 : i32 to vector<16xi32>
      tpu.vector_store_idx %arg7[%add3A_62, %broadcast_in_dim3A_125], %scan3A_78#15 : memref<256x8xi32, #tpu.memory_space<vmem>>[vector<16xi32>, vector<16xi32>], vector<16xi32>,
      %sub3A_126 = arith.subf %scan3A_78#16, %scan3A_78#16 : vector<16xf32>
      %exp3A_127 = math.exp %sub3A_126 : vector<16xf32>
      %sub3A_128 = arith.subf %scan3A_78#17, %scan3A_78#16 : vector<16xf32>
      %exp3A_129 = math.exp %sub3A_128 : vector<16xf32>
      %sub3A_130 = arith.subf %scan3A_78#18, %scan3A_78#16 : vector<16xf32>
      %exp3A_131 = math.exp %sub3A_130 : vector<16xf32>
      %sub3A_132 = arith.subf %scan3A_78#19, %scan3A_78#16 : vector<16xf32>
      %exp3A_133 = math.exp %sub3A_132 : vector<16xf32>
      %sub3A_134 = arith.subf %scan3A_78#20, %scan3A_78#16 : vector<16xf32>
      %exp3A_135 = math.exp %sub3A_134 : vector<16xf32>
      %sub3A_136 = arith.subf %scan3A_78#21, %scan3A_78#16 : vector<16xf32>
      %exp3A_137 = math.exp %sub3A_136 : vector<16xf32>
      %sub3A_138 = arith.subf %scan3A_78#22, %scan3A_78#16 : vector<16xf32>
      %exp3A_139 = math.exp %sub3A_138 : vector<16xf32>
      %sub3A_140 = arith.subf %scan3A_78#23, %scan3A_78#16 : vector<16xf32>
      %exp3A_141 = math.exp %sub3A_140 : vector<16xf32>
      %add3A_142 = arith.addf %exp3A_127, %exp3A_129 : vector<16xf32>
      %add3A_143 = arith.addf %add3A_142, %exp3A_131 : vector<16xf32>
      %add3A_144 = arith.addf %add3A_143, %exp3A_133 : vector<16xf32>
      %add3A_145 = arith.addf %add3A_144, %exp3A_135 : vector<16xf32>
      %add3A_146 = arith.addf %add3A_145, %exp3A_137 : vector<16xf32>
      %add3A_147 = arith.addf %add3A_146, %exp3A_139 : vector<16xf32>
      %add3A_148 = arith.addf %add3A_147, %exp3A_141 : vector<16xf32>
      %div3A_149 = arith.divf %exp3A_127, %add3A_148 : vector<16xf32>
      tpu.vector_store_idx %arg6[%add3A_70, %scan3A_78#24], %div3A_149 : memref<256x64xf32, #tpu.memory_space<vmem>>[vector<16xi32>, vector<16xi32>], vector<16xf32>,
      %broadcast_in_dim3A_150 = arith.constant 0 : i32
      %broadcast_in_dim3A_151 = vector.broadcast %broadcast_in_dim3A_150 : i32 to vector<16xi32>
      tpu.vector_store_idx %arg7[%add3A_70, %broadcast_in_dim3A_151], %scan3A_78#24 : memref<256x8xi32, #tpu.memory_space<vmem>>[vector<16xi32>, vector<16xi32>], vector<16xi32>,
      %div3A_152 = arith.divf %exp3A_129, %add3A_148 : vector<16xf32>
      tpu.vector_store_idx %arg6[%add3A_70, %scan3A_78#25], %div3A_152 : memref<256x64xf32, #tpu.memory_space<vmem>>[vector<16xi32>, vector<16xi32>], vector<16xf32>,
      %broadcast_in_dim3A_153 = arith.constant 1 : i32
      %broadcast_in_dim3A_154 = vector.broadcast %broadcast_in_dim3A_153 : i32 to vector<16xi32>
      tpu.vector_store_idx %arg7[%add3A_70, %broadcast_in_dim3A_154], %scan3A_78#25 : memref<256x8xi32, #tpu.memory_space<vmem>>[vector<16xi32>, vector<16xi32>], vector<16xi32>,
      %div3A_155 = arith.divf %exp3A_131, %add3A_148 : vector<16xf32>
      tpu.vector_store_idx %arg6[%add3A_70, %scan3A_78#26], %div3A_155 : memref<256x64xf32, #tpu.memory_space<vmem>>[vector<16xi32>, vector<16xi32>], vector<16xf32>,
      %broadcast_in_dim3A_156 = arith.constant 2 : i32
      %broadcast_in_dim3A_157 = vector.broadcast %broadcast_in_dim3A_156 : i32 to vector<16xi32>
      tpu.vector_store_idx %arg7[%add3A_70, %broadcast_in_dim3A_157], %scan3A_78#26 : memref<256x8xi32, #tpu.memory_space<vmem>>[vector<16xi32>, vector<16xi32>], vector<16xi32>,
      %div3A_158 = arith.divf %exp3A_133, %add3A_148 : vector<16xf32>
      tpu.vector_store_idx %arg6[%add3A_70, %scan3A_78#27], %div3A_158 : memref<256x64xf32, #tpu.memory_space<vmem>>[vector<16xi32>, vector<16xi32>], vector<16xf32>,
      %broadcast_in_dim3A_159 = arith.constant 3 : i32
      %broadcast_in_dim3A_160 = vector.broadcast %broadcast_in_dim3A_159 : i32 to vector<16xi32>
      tpu.vector_store_idx %arg7[%add3A_70, %broadcast_in_dim3A_160], %scan3A_78#27 : memref<256x8xi32, #tpu.memory_space<vmem>>[vector<16xi32>, vector<16xi32>], vector<16xi32>,
      %div3A_161 = arith.divf %exp3A_135, %add3A_148 : vector<16xf32>
      tpu.vector_store_idx %arg6[%add3A_70, %scan3A_78#28], %div3A_161 : memref<256x64xf32, #tpu.memory_space<vmem>>[vector<16xi32>, vector<16xi32>], vector<16xf32>,
      %broadcast_in_dim3A_162 = arith.constant 4 : i32
      %broadcast_in_dim3A_163 = vector.broadcast %broadcast_in_dim3A_162 : i32 to vector<16xi32>
      tpu.vector_store_idx %arg7[%add3A_70, %broadcast_in_dim3A_163], %scan3A_78#28 : memref<256x8xi32, #tpu.memory_space<vmem>>[vector<16xi32>, vector<16xi32>], vector<16xi32>,
      %div3A_164 = arith.divf %exp3A_137, %add3A_148 : vector<16xf32>
      tpu.vector_store_idx %arg6[%add3A_70, %scan3A_78#29], %div3A_164 : memref<256x64xf32, #tpu.memory_space<vmem>>[vector<16xi32>, vector<16xi32>], vector<16xf32>,
      %broadcast_in_dim3A_165 = arith.constant 5 : i32
      %broadcast_in_dim3A_166 = vector.broadcast %broadcast_in_dim3A_165 : i32 to vector<16xi32>
      tpu.vector_store_idx %arg7[%add3A_70, %broadcast_in_dim3A_166], %scan3A_78#29 : memref<256x8xi32, #tpu.memory_space<vmem>>[vector<16xi32>, vector<16xi32>], vector<16xi32>,
      %div3A_167 = arith.divf %exp3A_139, %add3A_148 : vector<16xf32>
      tpu.vector_store_idx %arg6[%add3A_70, %scan3A_78#30], %div3A_167 : memref<256x64xf32, #tpu.memory_space<vmem>>[vector<16xi32>, vector<16xi32>], vector<16xf32>,
      %broadcast_in_dim3A_168 = arith.constant 6 : i32
      %broadcast_in_dim3A_169 = vector.broadcast %broadcast_in_dim3A_168 : i32 to vector<16xi32>
      tpu.vector_store_idx %arg7[%add3A_70, %broadcast_in_dim3A_169], %scan3A_78#30 : memref<256x8xi32, #tpu.memory_space<vmem>>[vector<16xi32>, vector<16xi32>], vector<16xi32>,
      %div3A_170 = arith.divf %exp3A_141, %add3A_148 : vector<16xf32>
      tpu.vector_store_idx %arg6[%add3A_70, %scan3A_78#31], %div3A_170 : memref<256x64xf32, #tpu.memory_space<vmem>>[vector<16xi32>, vector<16xi32>], vector<16xf32>,
      %broadcast_in_dim3A_171 = arith.constant 7 : i32
      %broadcast_in_dim3A_172 = vector.broadcast %broadcast_in_dim3A_171 : i32 to vector<16xi32>
      tpu.vector_store_idx %arg7[%add3A_70, %broadcast_in_dim3A_172], %scan3A_78#31 : memref<256x8xi32, #tpu.memory_space<vmem>>[vector<16xi32>, vector<16xi32>], vector<16xi32>,
    }
    %scan3A_53 = arith.constant 8 : i32
    "tpu.region"() ({
      %run_scoped3A = tpu.sem_alloc : memref<!tpu.dma_semaphore, #tpu.memory_space<semaphore_mem>>
      %dma_start3A_54 = arith.constant 0 : i32
      %dma_start3A_55 = tpu.memref_slice %arg3[%select_n3A, %select_n3A_32, %dma_start3A_54] : memref<2x4096x64xf32, #tpu.memory_space<hbm>> -> memref<1x256x64xf32, #tpu.memory_space<hbm>>
      %dma_start3A_56 = tpu.memref_squeeze %dma_start3A_55 : memref<1x256x64xf32, #tpu.memory_space<hbm>> -> memref<256x64xf32, #tpu.memory_space<hbm>>
      %dma_start3A_57 = arith.constant 0 : i32
      %dma_start3A_58 = tpu.memref_slice %arg3[%select_n3A, %select_n3A_32, %dma_start3A_57] : memref<2x4096x64xf32, #tpu.memory_space<hbm>> -> memref<1x256x64xf32, #tpu.memory_space<hbm>>
      %dma_start3A_59 = tpu.memref_squeeze %dma_start3A_58 : memref<1x256x64xf32, #tpu.memory_space<hbm>> -> memref<256x64xf32, #tpu.memory_space<hbm>>
      tpu.enqueue_dma source(%arg6 : memref<256x64xf32, #tpu.memory_space<vmem>>) target(%dma_start3A_59 : memref<256x64xf32, #tpu.memory_space<hbm>>) target_semaphore(%run_scoped3A : memref<!tpu.dma_semaphore, #tpu.memory_space<semaphore_mem>>)
      %dma_wait3A_60 = arith.constant 0 : i32
      %dma_wait3A_61 = tpu.memref_slice %arg3[%select_n3A, %select_n3A_32, %dma_wait3A_60] : memref<2x4096x64xf32, #tpu.memory_space<hbm>> -> memref<1x256x64xf32, #tpu.memory_space<hbm>>
      %dma_wait3A_62 = tpu.memref_squeeze %dma_wait3A_61 : memref<1x256x64xf32, #tpu.memory_space<hbm>> -> memref<256x64xf32, #tpu.memory_space<hbm>>
      %dma_wait3A_63 = arith.constant 0 : i32
      %dma_wait3A_64 = tpu.memref_slice %arg3[%select_n3A, %select_n3A_32, %dma_wait3A_63] : memref<2x4096x64xf32, #tpu.memory_space<hbm>> -> memref<1x256x64xf32, #tpu.memory_space<hbm>>
      %dma_wait3A_65 = tpu.memref_squeeze %dma_wait3A_64 : memref<1x256x64xf32, #tpu.memory_space<hbm>> -> memref<256x64xf32, #tpu.memory_space<hbm>>
      tpu.wait_dma2 semaphore(%run_scoped3A : memref<!tpu.dma_semaphore, #tpu.memory_space<semaphore_mem>>) src(%arg6 : memref<256x64xf32, #tpu.memory_space<vmem>>) dst(%dma_wait3A_65 : memref<256x64xf32, #tpu.memory_space<hbm>>)
      tpu.yield
    }) : () -> ()
    "tpu.region"() ({
      %run_scoped3A = tpu.sem_alloc : memref<!tpu.dma_semaphore, #tpu.memory_space<semaphore_mem>>
      %dma_start3A_54 = arith.constant 0 : i32
      %dma_start3A_55 = tpu.memref_slice %arg4[%select_n3A, %select_n3A_32, %dma_start3A_54] : memref<2x4096x8xi32, #tpu.memory_space<hbm>> -> memref<1x256x8xi32, #tpu.memory_space<hbm>>
      %dma_start3A_56 = tpu.memref_squeeze %dma_start3A_55 : memref<1x256x8xi32, #tpu.memory_space<hbm>> -> memref<256x8xi32, #tpu.memory_space<hbm>>
      %dma_start3A_57 = arith.constant 0 : i32
      %dma_start3A_58 = tpu.memref_slice %arg4[%select_n3A, %select_n3A_32, %dma_start3A_57] : memref<2x4096x8xi32, #tpu.memory_space<hbm>> -> memref<1x256x8xi32, #tpu.memory_space<hbm>>
      %dma_start3A_59 = tpu.memref_squeeze %dma_start3A_58 : memref<1x256x8xi32, #tpu.memory_space<hbm>> -> memref<256x8xi32, #tpu.memory_space<hbm>>
      tpu.enqueue_dma source(%arg7 : memref<256x8xi32, #tpu.memory_space<vmem>>) target(%dma_start3A_59 : memref<256x8xi32, #tpu.memory_space<hbm>>) target_semaphore(%run_scoped3A : memref<!tpu.dma_semaphore, #tpu.memory_space<semaphore_mem>>)
      %dma_wait3A_60 = arith.constant 0 : i32
      %dma_wait3A_61 = tpu.memref_slice %arg4[%select_n3A, %select_n3A_32, %dma_wait3A_60] : memref<2x4096x8xi32, #tpu.memory_space<hbm>> -> memref<1x256x8xi32, #tpu.memory_space<hbm>>
      %dma_wait3A_62 = tpu.memref_squeeze %dma_wait3A_61 : memref<1x256x8xi32, #tpu.memory_space<hbm>> -> memref<256x8xi32, #tpu.memory_space<hbm>>
      %dma_wait3A_63 = arith.constant 0 : i32
      %dma_wait3A_64 = tpu.memref_slice %arg4[%select_n3A, %select_n3A_32, %dma_wait3A_63] : memref<2x4096x8xi32, #tpu.memory_space<hbm>> -> memref<1x256x8xi32, #tpu.memory_space<hbm>>
      %dma_wait3A_65 = tpu.memref_squeeze %dma_wait3A_64 : memref<1x256x8xi32, #tpu.memory_space<hbm>> -> memref<256x8xi32, #tpu.memory_space<hbm>>
      tpu.wait_dma2 semaphore(%run_scoped3A : memref<!tpu.dma_semaphore, #tpu.memory_space<semaphore_mem>>) src(%arg7 : memref<256x8xi32, #tpu.memory_space<vmem>>) dst(%dma_wait3A_65 : memref<256x8xi32, #tpu.memory_space<hbm>>)
      tpu.yield
    }) : () -> ()
    return
  }
}

module attributes {stable_mosaic.version = 14 : i64} {
  func.func @_logits_body3d(%arg0: i32, %arg1: memref<1x1024x2048xf32, #tpu.memory_space<vmem>>, %arg2: memref<64x2048xf32, #tpu.memory_space<vmem>>, %arg3: memref<1x1024x64xf32, #tpu.memory_space<vmem>>) attributes {dimension_semantics = [#tpu.dimension_semantics<parallel>], iteration_bounds = array<i64: 8>, scalar_prefetch = 0 : i64, scratch_operands = 0 : i64, tpu.core_type = #tpu.core_type<tc>, window_params = [{transform_indices = @transform_0, window_bounds = array<i64: 1, 1024, 2048>}, {pipeline_mode = #tpu.pipeline_mode<synchronous>, transform_indices = @transform_1, window_bounds = array<i64: 64, 2048>}, {transform_indices = @transform_2, window_bounds = array<i64: 1, 1024, 64>}]} {
    %get3A = arith.constant 0 : index
    %get3A_0 = arith.constant 0 : index
    %get3A_1 = arith.constant 0 : index
    %get3A_2 = vector.load %arg1[%get3A, %get3A_0, %get3A_1] : memref<1x1024x2048xf32, #tpu.memory_space<vmem>>, vector<1x1024x2048xf32>
    %get3A_3 = vector.shape_cast %get3A_2 : vector<1x1024x2048xf32> to vector<1024x2048xf32>
    %get3A_4 = arith.constant 0 : index
    %get3A_5 = arith.constant 0 : index
    %get3A_6 = vector.load %arg2[%get3A_4, %get3A_5] : memref<64x2048xf32, #tpu.memory_space<vmem>>, vector<64x2048xf32>
    %dot_general3A = arith.constant dense<0.000000e+00> : vector<1024x64xf32>
    %dot_general3A_7 = tpu.matmul %get3A_3, %get3A_6, %dot_general3A {dimension_numbers = #tpu.dot_dimension_numbers<[1], [1], [0], [0], [0, 0, 1, 0], [], []>, transpose_lhs_hint = false} : vector<1024x2048xf32>, vector<64x2048xf32>, vector<1024x64xf32> -> vector<1024x64xf32>
    %broadcast_in_dim3A = vector.shape_cast %dot_general3A_7 : vector<1024x64xf32> to vector<1x1024x64xf32>
    %swap3A = arith.constant 0 : index
    %swap3A_8 = arith.constant 0 : index
    %swap3A_9 = arith.constant 0 : index
    %swap3A_10 = vector.load %arg3[%swap3A, %swap3A_8, %swap3A_9] : memref<1x1024x64xf32, #tpu.memory_space<vmem>>, vector<1x1024x64xf32>
    tpu.vector_store %arg3[%swap3A, %swap3A_8, %swap3A_9], %broadcast_in_dim3A {strides = array<i32>} : memref<1x1024x64xf32, #tpu.memory_space<vmem>>, vector<1x1024x64xf32>,
    return
  }
  func.func @transform_0(%arg0: i32) -> (i32, i32, i32) {
    %jit3A = arith.constant 4 : i32
    %div3A = arith.divsi %arg0, %jit3A : i32
    %sign3A = arith.constant 0 : i32
    %sign3A_0 = arith.cmpi sgt, %arg0, %sign3A : i32
    %sign3A_1 = arith.extui %sign3A_0 : i1 to i32
    %sign3A_2 = arith.constant 0 : i32
    %sign3A_3 = arith.cmpi slt, %arg0, %sign3A_2 : i32
    %sign3A_4 = arith.extui %sign3A_3 : i1 to i32
    %sign3A_5 = arith.subi %sign3A_1, %sign3A_4 : i32
    %sign3A_6 = arith.constant 0 : i32
    %sign3A_7 = arith.cmpi sgt, %jit3A, %sign3A_6 : i32
    %sign3A_8 = arith.extui %sign3A_7 : i1 to i32
    %sign3A_9 = arith.constant 0 : i32
    %sign3A_10 = arith.cmpi slt, %jit3A, %sign3A_9 : i32
    %sign3A_11 = arith.extui %sign3A_10 : i1 to i32
    %sign3A_12 = arith.subi %sign3A_8, %sign3A_11 : i32
    %ne3A = arith.cmpi ne, %sign3A_5, %sign3A_12 : i32
    %rem3A = arith.remsi %arg0, %jit3A : i32
    %ne3A_13 = arith.constant 0 : i32
    %ne3A_14 = arith.cmpi ne, %rem3A, %ne3A_13 : i32
    %and3A = arith.andi %ne3A, %ne3A_14 : i1
    %sub3A = arith.constant 1 : i32
    %sub3A_15 = arith.subi %div3A, %sub3A : i32
    %select_n3A = arith.select %and3A, %sub3A_15, %div3A : i32
    %jit3A_16 = arith.constant 4 : i32
    %eq3A = arith.constant 0 : i32
    %eq3A_17 = arith.cmpi eq, %jit3A_16, %eq3A : i32
    %jit3A_18 = arith.constant 1 : i32
    %select_n3A_19 = arith.select %eq3A_17, %jit3A_18, %jit3A_16 : i32
    %rem3A_20 = arith.remsi %arg0, %select_n3A_19 : i32
    %ne3A_21 = arith.constant 0 : i32
    %ne3A_22 = arith.cmpi ne, %rem3A_20, %ne3A_21 : i32
    %lt3A = arith.constant 0 : i32
    %lt3A_23 = arith.cmpi slt, %rem3A_20, %lt3A : i32
    %lt3A_24 = arith.constant 0 : i32
    %lt3A_25 = arith.cmpi slt, %select_n3A_19, %lt3A_24 : i32
    %ne3A_26 = arith.xori %lt3A_23, %lt3A_25 : i1
    %and3A_27 = arith.andi %ne3A_26, %ne3A_22 : i1
    %add3A = arith.addi %rem3A_20, %select_n3A_19 : i32
    %select_n3A_28 = arith.select %and3A_27, %add3A, %rem3A_20 : i32
    %c0_i32 = arith.constant 0 : i32
    %c0_i32_29 = arith.constant 0 : i32
    return %select_n3A, %select_n3A_28, %c0_i32 : i32, i32, i32
  }
  func.func @transform_1(%arg0: i32) -> (i32, i32) {
    %c0_i32 = arith.constant 0 : i32
    %c0_i32_0 = arith.constant 0 : i32
    %c0_i32_1 = arith.constant 0 : i32
    return %c0_i32, %c0_i32_0 : i32, i32
  }
  func.func @transform_2(%arg0: i32) -> (i32, i32, i32) {
    %jit3A = arith.constant 4 : i32
    %div3A = arith.divsi %arg0, %jit3A : i32
    %sign3A = arith.constant 0 : i32
    %sign3A_0 = arith.cmpi sgt, %arg0, %sign3A : i32
    %sign3A_1 = arith.extui %sign3A_0 : i1 to i32
    %sign3A_2 = arith.constant 0 : i32
    %sign3A_3 = arith.cmpi slt, %arg0, %sign3A_2 : i32
    %sign3A_4 = arith.extui %sign3A_3 : i1 to i32
    %sign3A_5 = arith.subi %sign3A_1, %sign3A_4 : i32
    %sign3A_6 = arith.constant 0 : i32
    %sign3A_7 = arith.cmpi sgt, %jit3A, %sign3A_6 : i32
    %sign3A_8 = arith.extui %sign3A_7 : i1 to i32
    %sign3A_9 = arith.constant 0 : i32
    %sign3A_10 = arith.cmpi slt, %jit3A, %sign3A_9 : i32
    %sign3A_11 = arith.extui %sign3A_10 : i1 to i32
    %sign3A_12 = arith.subi %sign3A_8, %sign3A_11 : i32
    %ne3A = arith.cmpi ne, %sign3A_5, %sign3A_12 : i32
    %rem3A = arith.remsi %arg0, %jit3A : i32
    %ne3A_13 = arith.constant 0 : i32
    %ne3A_14 = arith.cmpi ne, %rem3A, %ne3A_13 : i32
    %and3A = arith.andi %ne3A, %ne3A_14 : i1
    %sub3A = arith.constant 1 : i32
    %sub3A_15 = arith.subi %div3A, %sub3A : i32
    %select_n3A = arith.select %and3A, %sub3A_15, %div3A : i32
    %jit3A_16 = arith.constant 4 : i32
    %eq3A = arith.constant 0 : i32
    %eq3A_17 = arith.cmpi eq, %jit3A_16, %eq3A : i32
    %jit3A_18 = arith.constant 1 : i32
    %select_n3A_19 = arith.select %eq3A_17, %jit3A_18, %jit3A_16 : i32
    %rem3A_20 = arith.remsi %arg0, %select_n3A_19 : i32
    %ne3A_21 = arith.constant 0 : i32
    %ne3A_22 = arith.cmpi ne, %rem3A_20, %ne3A_21 : i32
    %lt3A = arith.constant 0 : i32
    %lt3A_23 = arith.cmpi slt, %rem3A_20, %lt3A : i32
    %lt3A_24 = arith.constant 0 : i32
    %lt3A_25 = arith.cmpi slt, %select_n3A_19, %lt3A_24 : i32
    %ne3A_26 = arith.xori %lt3A_23, %lt3A_25 : i1
    %and3A_27 = arith.andi %ne3A_26, %ne3A_22 : i1
    %add3A = arith.addi %rem3A_20, %select_n3A_19 : i32
    %select_n3A_28 = arith.select %and3A_27, %add3A, %rem3A_20 : i32
    %c0_i32 = arith.constant 0 : i32
    %c0_i32_29 = arith.constant 0 : i32
    return %select_n3A, %select_n3A_28, %c0_i32 : i32, i32, i32
  }
}

</mosaic_0001>

<sc_bundles>
// kernel: kernel.4.cloned.1.call-start
scs
__scs_entry_jumppad:
0x0: {  	(pc) =	sbr.rel $0x88, $3  }
0x1: {  	(tag) =	ssettag $0x0;
	lr =	simm.s32 $0x1  }
0x2: {  	[smem:$0x3F9F] =	sst lr;
	_ =	strace $0xD0000000  }
0x3: {  	_ = 	snop  }
0x4: {  	_ = 	snop  }
0x5: {  	_ = 	snop  }
0x6: {  	_ = 	snop  }
0x7: {  	_ = 	snop  }
__scs_overlays_trampoline_lowered:
0x8: {  	[smem:$0x3FAE] =	sst s0  }
0x9: {  	[smem:$0x3FAF] =	sst s1  }
0xa: {  	[smem:$0x3FB0] =	sst s2  }
0xb: {  	[smem:$0x3FB1] =	sst s3  }
0xc: {  	[smem:$0x3FB2] =	sst s4  }
0xd: {  	[smem:$0x3FB3] =	sst s5  }
0xe: {  	[smem:$0x3FB4] =	sst s6  }
0xf: {  	[smem:$0x3FB5] =	sst s7  }
0x10: {  	[smem:$0x3FB6] =	sst s8  }
0x11: {  	[smem:$0x3FB7] =	sst s9;
	s0 =	simm.s32 @!p0 $0x0  }
0x12: {  	s1 =	sld [smem:$0x3F9D];
	s0 =	simm.s32 @p0 $0x1  }
0x13: {  	[smem:$0x3FB8] =	sst s0;
	s0 =	simm.s32 @!p1 $0x0  }
0x14: {  	s2 =	sld [smem:$0x3F9C];
	s0 =	simm.s32 @p1 $0x1  }
0x15: {  	[smem:$0x3FB9] =	sst s0;
	s0 =	simm.s32 @!p2 $0x0  }
0x16: {  	s3 =	sld [smem:$0x3FDB];
	s0 =	simm.s32 @p2 $0x1  }
0x17: {  	s4 =	simm.s32 $0x1BF5;
	[smem:$0x3FBB] =	sst s0  }
0x18: {  	s0 =	sld [smem:$0x3F9E];
	_ =	swait.ge [sflag:s4], $0x0  }
0x19: {  	s7 =	sld [smem:$0x3F9F]  }
0x1a: {  	s8 =	sadd.s32 $0xFFFFE003, lr  }
0x1b: {  	s9 =	sadd.s32 $0xFFFFFEF7, lr;
	s5 =	simm.s32 $0xFFFFFFFF;
	p2 =	slt.u32 s8, $0xFFFFF086  }
0x1c: {  	p1 =	slt.u32 s9, $0xF7A;
	s5 =	simm.s32 @!p2 $0x0  }
0x1d: {  	s5 =	simm.s32 @p1 $0x1;
	p0 =	seq.s32 s7, s2  }
0x1e: {  	s7 =	smul.u32 @!p0 $0xF7A, s2;
	p2 =	seq.s32 @!p0 s5, $0x0  }
0x1f: {  	s9 =	smul.u32 $0xF7A, s1;
	s8 =	simm.s32 @!p0 $0x1BF5;
	p2 =	por !p2, p0  }
0x20: {  	[sflag:s8] =	ssyncset.s32 @!p0 $0xFFFFF086;
	s6 =	sadd.s32 @!p0 s3, s7;
	s7 =	simm.s32 @!p0 $0x108  }
0x21: {  	s3 =	sadd.s32 s3, s9;
	s6 =	sadd.s32 @!p0 $0x88, s6;
	s7 =	simm.s32 @p2 $0x1082  }
0x22: {  	[simem:s7], [sflag:s8] =	dma.local @!p0 [hbm:s6], $0xF7A  }
0x23: {  	s9 =	sor.u32 $0xD0000000, s2;
	s6 =	simm.s32 $0x108;
	_ =	swait.ge @!p0 [sflag:s8], $0x0  }
0x24: {  	s3 =	sadd.s32 $0x88, s3;
	s6 =	simm.s32 @!p1 $0x1082;
	[sflag:s4] =	ssyncset.s32 $0xFFFFF086  }
0x25: {  	[simem:s6], [sflag:s4] =	dma.local [hbm:s3], $0xF7A  }
0x26: {  	[smem:$0x3F9F] =	sst s1;
	(tag) =	ssettag s2;
	_ =	strace s9  }
0x27: {  	s1 =	sld [smem:$0x3FAF]  }
0x28: {  	s2 =	sld [smem:$0x3FB0]  }
0x29: {  	s4 =	sld [smem:$0x3FB2]  }
0x2a: {  	p0 =	seq.s32 s5, $0x0;
	s5 =	sld [smem:$0x3FB3]  }
0x2b: {  	s6 =	sld [smem:$0x3FB4]  }
0x2c: {  	s7 =	sld [smem:$0x3FB5]  }
0x2d: {  	s3 =	simm.s32 $0x108;
	s8 =	sld [smem:$0x3FB6]  }
0x2e: {  	s3 =	simm.s32 @!p0 $0x1082;
	s9 =	sld [smem:$0x3FB7]  }
0x2f: {  	lr =	sadd.s32 s0, s3;
	s0 =	sld [smem:$0x3FAE]  }
0x30: {  	s3 =	sld [smem:$0x3FB1]  }
0x31: {  	[smem:$0x3FBA] =	sst s10  }
0x32: {  	s10 =	sld [smem:$0x3FB8];
	_ =	sdelay $0x3  }
0x33: {  	p0 =	seq.s32 s10, $0x1;
	s10 =	sld [smem:$0x3FBA];
	_ =	sdelay $0x3  }
0x34: {  	[smem:$0x3FBA] =	sst s10  }
0x35: {  	s10 =	sld [smem:$0x3FB9];
	_ =	sdelay $0x3  }
0x36: {  	p1 =	seq.s32 s10, $0x1;
	s10 =	sld [smem:$0x3FBA];
	_ =	sdelay $0x3  }
0x37: {  	[smem:$0x3FBA] =	sst s10  }
0x38: {  	s10 =	sld [smem:$0x3FBB]  }
0x39: {  	_ = 	snop;
	(pc) =	sbr.ind lr, $3  }
0x3a: {  	_ = 	snop  }
0x3b: {  	_ = 	snop  }
0x3c: {  	p2 =	seq.s32 s10, $0x1;
	s10 =	sld [smem:$0x3FBA]  }
0x3d: {  	_ =	shalt  }
0x3e: {  	_ =	shalt  }
0x3f: {  	_ =	shalt  }
0x40: {  	_ =	shalt  }
0x41: {  	_ =	shalt  }
0x42: {  	_ =	shalt  }
0x43: {  	_ =	shalt  }
0x44: {  	_ =	shalt  }
0x45: {  	_ =	shalt  }
0x46: {  	_ =	shalt  }
0x47: {  	_ =	shalt  }
0x48: {  	_ =	shalt  }
0x49: {  	_ =	shalt  }
0x4a: {  	_ =	shalt  }
0x4b: {  	_ =	shalt  }
0x4c: {  	_ =	shalt  }
0x4d: {  	_ =	shalt  }
0x4e: {  	_ =	shalt  }
0x4f: {  	_ =	shalt  }
0x50: {  	_ =	shalt  }
0x51: {  	_ =	shalt  }
0x52: {  	_ =	shalt  }
0x53: {  	_ =	shalt  }
0x54: {  	_ =	shalt  }
0x55: {  	_ =	shalt  }
0x56: {  	_ =	shalt  }
0x57: {  	_ =	shalt  }
0x58: {  	_ =	shalt  }
0x59: {  	_ =	shalt  }
0x5a: {  	_ =	shalt  }
0x5b: {  	_ =	shalt  }
0x5c: {  	_ =	shalt  }
0x5d: {  	_ =	shalt  }
0x5e: {  	_ =	shalt  }
0x5f: {  	_ =	shalt  }
0x60: {  	_ =	shalt  }
0x61: {  	_ =	shalt  }
0x62: {  	_ =	shalt  }
0x63: {  	_ =	shalt  }
0x64: {  	_ =	shalt  }
0x65: {  	_ =	shalt  }
0x66: {  	_ =	shalt  }
0x67: {  	_ =	shalt  }
0x68: {  	_ =	shalt  }
0x69: {  	_ =	shalt  }
0x6a: {  	_ =	shalt  }
0x6b: {  	_ =	shalt  }
0x6c: {  	_ =	shalt  }
0x6d: {  	_ =	shalt  }
0x6e: {  	_ =	shalt  }
0x6f: {  	_ =	shalt  }
0x70: {  	_ =	shalt  }
0x71: {  	_ =	shalt  }
0x72: {  	_ =	shalt  }
0x73: {  	_ =	shalt  }
0x74: {  	_ =	shalt  }
0x75: {  	_ =	shalt  }
0x76: {  	_ =	shalt  }
0x77: {  	_ =	shalt  }
0x78: {  	_ =	shalt  }
0x79: {  	_ =	shalt  }
0x7a: {  	_ =	shalt  }
0x7b: {  	_ =	shalt  }
0x7c: {  	_ =	shalt  }
0x7d: {  	_ =	shalt  }
0x7e: {  	_ =	shalt  }
0x7f: {  	_ =	shalt  }
0x80: {  	_ =	shalt  }
0x81: {  	_ =	shalt  }
0x82: {  	_ =	shalt  }
0x83: {  	_ =	shalt  }
0x84: {  	_ =	shalt  }
0x85: {  	_ =	shalt  }
0x86: {  	_ =	shalt  }
0x87: {  	_ =	shalt  }
.Lfunc_end0:
.L_simem_size_0:
called_computation_lowered:
.L_overlay_start_0:
0x88: {  	s2 =	sld [smem:$0x3FD9]  }
0x89: {  	s3 =	sld [smem:$0x3FFE];
	_ =	sdelay $0x1  }
0x8a: {  	s1 =	srdreg.scid  }
0x8b: {  	s0 =	sand.u32 $0x1, s1  }
0x8c: {  	s16 =	sshll.u32 s0, $0xA;
	s2 =	sadd.s32 s3, s2  }
0x8d: {  	s2 =	sadd.s32 s2, s16  }
0x8e: {  	[smem:$0x3FC6] =	sst s2  }
0x8f: {  	_ = 	snop  }
0x90: {  	(tm) =	ssettm $0x1  }
0x91: {  	s17 =	sld [smem:$0x3FFB];
	_ =	sdelay $0x3  }
0x92: {  	_ =	strace s17  }
0x93: {  	s2 =	sld [smem:$0x3FFC];
	_ =	sdelay $0x3  }
0x94: {  	_ =	strace s2  }
0x95: {  	s2 =	sld [smem:$0x3FFD];
	_ =	sdelay $0x3  }
0x96: {  	_ =	strace s2  }
0x97: {  	_ =	strace $0x8FFFFFFF  }
0x98: {  	s18 =	sld [smem:$0x3FDB];
	_ =	sdelay $0x1  }
0x99: {  	s19 =	simm.s32 $_scs_section_size  }
0x9a: {  	s4 =	simm.s32 $_size__tile_overlayer_lowered;
	s5 =	simm.s32 $_tile_overlayer_lowered  }
0x9b: {  	s22 =	simm.s32 $0x1BFF;
	s21 =	sshll.u32 s5, $0x1;
	s2 =	sadd.s32 s19, s18  }
0x9c: {  	s6 =	simm.s32 $0x0;
	s20 =	sshll.u32 s4, $0x1;
	s4 =	sadd.s32 s21, s2  }
0x9d: {  	[timem:s6], [sflag:s22] =	dma.local [hbm:s4], s20  }
0x9e: {  	_ =	swait.ge [sflag:s22], s20  }
0x9f: {  	s3 =	ssub.s32 $0x0, s20;
	[sflag:s22] =	ssyncset.done $0x0  }
0xa0: {  	[sflag:s22] =	ssyncadd.s32 s3;
	_ =	sdelay $0x1  }
0xa1: {  	s23 =	simm.s32 $0x1B8B  }
0xa2: {  	_ =	swait.ge [sflag:s23], $0x1  }
0xa3: {  	[sflag:s23] =	ssyncset.done $0x0  }
0xa4: {  	s25 =	simm.s32 $0x1B8E;
	s24 =	sld [smem:$0x3FFE];
	[sflag:s23] =	ssyncadd.s32 $0xFFFFFFFF  }
0xa5: {  	s26 =	simm.s32 $execute0_lowered;
	[smem:$0x3FD2] =	sst s25  }
0xa6: {  	s4 =	sshll.u32 s26, $0x1;
	_ =	strace $0x80000046;
	[dreg:$0x1] =	wrdreg $0xFFFFFFFF  }
0xa7: {  	s28 =	simm.s32 $_size_execute0_lowered;
	s2 =	sadd.s32 s2, s4;
	[dreg:$0x0] =	wrdreg $0x0  }
0xa8: {  	s4 =	sshll.u32 s28, $0x1;
	[dreg:$0x2] =	wrdreg s2  }
0xa9: {  	[dreg:$0x3] =	wrdreg s4  }
0xaa: {  	[dreg:$0x4] =	wrdreg $0xC0  }
0xab: {  	_ =	task [dreg:s6], $0x5FFFF  }
0xac: {  	[dreg:$0x1] =	wrdreg $0xFFFFFFFF  }
0xad: {  	[dreg:$0x0] =	wrdreg $0x60  }
0xae: {  	[dreg:$0x2] =	wrdreg s24  }
0xaf: {  	[dreg:$0x3] =	wrdreg $0x9  }
0xb0: {  	_ =	task.clear_ibuf [dreg:s6], $0x4FFFF;
	_ =	strace $0x90000046  }
0xb1: {  	s29 =	simm.s32 $0x9;
	_ =	strace $0x80000048  }
0xb2: {  	_ =	swait.ge [sflag:s29], $0x1  }
0xb3: {  	[sflag:s29] =	ssyncadd.s32 $0xFFFFFFFF  }
0xb4: {  	_ =	strace $0x90000048  }
0xb5: {  	_ =	sfence  }
0xb6: {  	s30 =	sld [smem:$0x0];
	_ =	sdelay $0x2  }
0xb7: {  	s31 =	sshll.u32 s1, $0xD;
	s1 =	sshrl.u32 s1, $0x2  }
0xb8: {  	s3 =	sand.u32 $0x4000, s31;
	s1 =	sadd.s32 s1, s30  }
0xb9: {  	s0 =	sor.u32 s3, s0;
	s1 =	sshll.u32 s1, $0x11  }
0xba: {  	s0 =	sor.u32 s1, s0  }
0xbb: {  	s0 =	sadd.s32 $0x8F2B, s0  }
0xbc: {  	[sflag:s0] =	ssyncadd.remote.s32 $0x1  }
0xbd: {  	_ =	sfence.sel $0xFFFF  }
0xbe: {  	[dreg:$0x0] =	wrdreg $0xFFFFFFFF;
	(pc) =	sbr.abs _section_cstart, $3  }
0xbf: {  	[dreg:$0x1] =	wrdreg $0xFFFFFFFF  }
0xc0: {  	_ =	task.clear_ibuf [dreg:s6], $0x2FFFF;
	_ =	strace $0x9FFFFFFF  }
0xc1: {  	(tm) =	ssettm $0x7FFFFFFF  }
tec
execute0_lowered:
.L_overlay_start_1:
0x0: {  	(tag) =	ssettag $0x1  }
0x1: {  	s3 =	rddreg [dreg:$0x0]  }
0x2: {  	s0 =	rddreg [dreg:$0x1];
	s4 =	srdreg.scid  }
0x3: {  	s2 =	simm.s32 $0x0;
	s1 =	stileid.u32;
	s7 =	simm.s32 $0x1  }
0x4: {  	s8 =	simm.s32 $0x8000;
	s9 =	simm.s32 $0x10000;
	s4 =	sand.u32 $0x1, s4  }
0x5: {  	s10 =	simm.s32 $0x2;
	s5 =	sshll.u32 s1, $0xD;
	s6 =	sshll.u32 s4, $0xC  }
0x6: {  	s11 =	simm.s32 $0x0;
	s4 =	ssub.s32 $0x2, s4;
	s5 =	sor.u32 s6, s5  }
0x7: {  	[smem:$0x7FF] =	sst s2;
	s31 =	sshrl.u32 s4, $0x1;
	s5 =	sadd.s32 s5, s3  }
0x8: {  	v1 =	vlaneseq.u32;
	_ =	strace $0x80000047;
	s6 =	ssub.s32 s4, s31;
	s3 =	sadd.s32 $0x1000, s5  }
0x9: {  	v0 =	vimm.f32 $0.0e+00;
	v1 =	vmul.u32 $0x80, v1;
	s4 =	sadd.s32 $0x21000, s5;
	s5 =	sadd.s32 $0x41000, s5;
	s6 =	smax.u32 s6, $0x1  }
.LBB2_1:
0xa: {  	[tilespmem:s2], [sflag:$0x1] =	stream.linear.gather [hbm4b:s3+s2], $0x8000, $0x38;
	[tilespmem:$0x18000] =	vst v63  }
0xb: {  	s12 =	simm.s32 $0x8100  }
0xc: {  	[tilespmem:s12+$0xFFFFFF00] =	vst v0  }
0xd: {  	[tilespmem:s12+$0xB0] =	vst v0  }
0xe: {  	[tilespmem:s12+$0xA0] =	vst v0  }
0xf: {  	[tilespmem:s12+$0x90] =	vst v0  }
0x10: {  	[tilespmem:s12+$0x80] =	vst v0  }
0x11: {  	[tilespmem:s12+$0x30] =	vst v0  }
0x12: {  	[tilespmem:s12+$0x20] =	vst v0  }
0x13: {  	[tilespmem:s12+$0x10] =	vst v0  }
0x14: {  	[tilespmem:s12+$0x0] =	vst v0  }
0x15: {  	[tilespmem:s12+$0xFFFFFFB0] =	vst v0  }
0x16: {  	[tilespmem:s12+$0xFFFFFFA0] =	vst v0  }
0x17: {  	[tilespmem:s12+$0xFFFFFF90] =	vst v0  }
0x18: {  	[tilespmem:s12+$0xFFFFFF80] =	vst v0  }
0x19: {  	[tilespmem:s12+$0xFFFFFF30] =	vst v0  }
0x1a: {  	s13 =	simm.s32 $0x0;
	[tilespmem:s12+$0xFFFFFF20] =	vst v0  }
.LBB2_2:
0x1b: {  	s13 =	sadd.s32 $0x4, s13;
	[tilespmem:s12+$0xFFFFFF10] =	vst v0;
	s12 =	sadd.s32 $0x200, s12  }
0x1c: {  	[tilespmem:s12+$0xFFFFFF00] =	vst v0;
	p0 =	slt.u32 s13, $0xFC  }
0x1d: {  	[tilespmem:s12+$0xB0] =	vst v0  }
0x1e: {  	[tilespmem:s12+$0xA0] =	vst v0  }
0x1f: {  	[tilespmem:s12+$0x90] =	vst v0  }
0x20: {  	[tilespmem:s12+$0x80] =	vst v0  }
0x21: {  	[tilespmem:s12+$0x30] =	vst v0  }
0x22: {  	[tilespmem:s12+$0x20] =	vst v0  }
0x23: {  	[tilespmem:s12+$0x10] =	vst v0  }
0x24: {  	[tilespmem:s12+$0x0] =	vst v0  }
0x25: {  	[tilespmem:s12+$0xFFFFFFB0] =	vst v0  }
.Ltmp0:
0x26: {  	[tilespmem:s12+$0xFFFFFFA0] =	vst v0;
	(pc) =	sbr.rel @p0 .LBB2_2-.Ltmp0, $4  }
0x27: {  	[tilespmem:s12+$0xFFFFFF90] =	vst v0  }
0x28: {  	[tilespmem:s12+$0xFFFFFF80] =	vst v0  }
0x29: {  	[tilespmem:s12+$0xFFFFFF30] =	vst v0  }
0x2a: {  	[tilespmem:s12+$0xFFFFFF20] =	vst v0  }
0x2b: {  	[tilespmem:s12+$0xFFFFFF10] =	vst v0  }
0x2c: {  	_ =	swait.ge [sflag:s7], $0x8000  }
0x2d: {  	[sflag:s7] =	ssyncset.done $0x0  }
0x2e: {  	s12 =	simm.s32 $0x0;
	[sflag:s7] =	ssyncadd.s32 $0xFFFF8000  }
.LBB2_4:
0x2f: {  	v19 =	vimm.f32 $-3.000000010e+38;
	v6 =	vimm.s32 $0x0  }
0x30: {  	v5 =	vimm.s32 $0x0;
	v7 =	vimm.s32 $0x0;
	v8 =	vimm.s32 $0x0  }
0x31: {  	v9 =	vimm.s32 $0x0;
	v10 =	vimm.s32 $0x0;
	v11 =	vimm.s32 $0x0  }
0x32: {  	v21 =	vimm.f32 $-3.000000010e+38;
	v22 =	vimm.f32 $-3.000000010e+38;
	v23 =	vimm.f32 $-3.000000010e+38  }
0x33: {  	v25 =	vimm.f32 $-3.000000010e+38;
	v26 =	vimm.f32 $-3.000000010e+38;
	v27 =	vimm.f32 $-3.000000010e+38  }
0x34: {  	v24 =	vimm.f32 $-3.000000010e+38;
	v13 =	vimm.s32 $0x0;
	v14 =	vimm.s32 $0x0  }
0x35: {  	v12 =	vimm.s32 $0x0;
	v15 =	vimm.s32 $0x0;
	v16 =	vimm.s32 $0x0  }
0x36: {  	v17 =	vimm.s32 $0x0;
	v18 =	vimm.s32 $0x0;
	v20 =	vimm.s32 $0x0  }
0x37: {  	s13 =	sshll.u32 s12, $0x5;
	v31 =	vimm.f32 $-3.000000010e+38;
	v28 =	vimm.f32 $-3.000000010e+38;
	v29 =	vimm.f32 $-3.000000010e+38  }
0x38: {  	v30 =	vimm.f32 $-3.000000010e+38;
	v32 =	vimm.f32 $-3.000000010e+38;
	v2 =	vmov s13;
	s13 =	sor.u32 $0x10, s13  }
0x39: {  	v33 =	vimm.f32 $-3.000000010e+38;
	v35 =	vimm.f32 $-3.000000010e+38;
	v3 =	vmov s13  }
0x3a: {  	v34 =	vimm.f32 $-3.000000010e+38;
	v2 =	vshll.u32 v2, $0x7;
	v4 =	vshll.u32 v3, $0x7  }
0x3b: {  	s13 =	simm.s32 $0x0;
	v3 =	vor.u32 v1, v2;
	v2 =	vor.u32 v1, v4;
	v4 =	vimm.s32 $0x0  }
.LBB2_5:
0x3c: {  	v36 =	vor.u32 s13, v3;
	_ =	sdelay $0x1  }
0x3d: {  	v39 =	vor.u32 s13, v2;
	_ =	sdelay $0x2  }
0x3e: {  	v36 =	vld.idx.msk [tilespmem:v36+s2+$0x0], $0xffff;
	_ =	sdelay $0x1  }
0x3f: {  	v39 =	vld.idx.msk [tilespmem:v39+s2+$0x0], $0xffff  }
0x40: {  	s14 =	sadd.s32 $0x1, s13  }
0x41: {  	v62 =	vor.u32 s14, v3  }
0x42: {  	vm1 =	vgt.f32 v36, v34;
	vm2 =	vgt.f32 v36, v35;
	vm3 =	vgt.f32 v36, v33  }
0x43: {  	vm4 =	vgt.f32 v36, v32;
	vm5 =	vgt.f32 v36, v30;
	vm6 =	vgt.f32 v36, v29  }
0x44: {  	vm0 =	vgt.f32 v36, v28;
	vm7 =	vgt.f32 v36, v31;
	vm11 =	vgt.f32 v39, v27  }
0x45: {  	vm12 =	vgt.f32 v39, v26;
	vm13 =	vgt.f32 v39, v25;
	vm14 =	vgt.f32 v39, v23  }
0x46: {  	vm15 =	vgt.f32 v39, v22;
	vm9 =	vgt.f32 v39, v21;
	vm10 =	vgt.f32 v39, v19  }
0x47: {  	v37 =	vsel vm1, v36, v34;
	v38 =	vsel vm2, v36, v35;
	v40 =	vsel vm1, s13, v20  }
0x48: {  	v43 =	vsel vm2, s13, v18;
	v44 =	vsel vm3, v36, v33;
	v41 =	vsel vm3, s13, v17  }
0x49: {  	v46 =	vsel vm4, v36, v32;
	v55 =	vsel vm4, s13, v16;
	v56 =	vsel vm5, v36, v30  }
0x4a: {  	v57 =	vsel vm5, s13, v15;
	v58 =	vsel vm6, v36, v29;
	v59 =	vsel vm6, s13, v12  }
0x4b: {  	v60 =	vsel vm0, v36, v28;
	v61 =	vsel vm0, s13, v14;
	v31 =	vsel vm7, v36, v31  }
0x4c: {  	v13 =	vsel vm7, s13, v13;
	v48 =	vsel vm12, s13, v9;
	v49 =	vsel vm14, v39, v23  }
0x4d: {  	v50 =	vsel vm15, s13, v5;
	v19 =	vsel vm10, v39, v19;
	v4 =	vsel vm10, s13, v4  }
0x4e: {  	v54 =	vsel vm1, v34, v38;
	v20 =	vsel vm1, v20, v43;
	v45 =	vsel vm2, v35, v44  }
0x4f: {  	v18 =	vsel vm2, v18, v41;
	v47 =	vsel vm3, v33, v46;
	v17 =	vsel vm3, v17, v55  }
0x50: {  	v32 =	vsel vm4, v32, v56;
	v16 =	vsel vm4, v16, v57;
	v30 =	vsel vm5, v30, v58  }
0x51: {  	v15 =	vsel vm5, v15, v59;
	v29 =	vsel vm6, v29, v60;
	v12 =	vsel vm6, v12, v61  }
0x52: {  	v28 =	vsel vm0, v28, v31;
	v13 =	vsel vm0, v14, v13;
	vm1 =	vgt.f32 v39, v24  }
0x53: {  	v36 =	vld.idx.msk [tilespmem:v62+s2+$0x0], $0xffff;
	v31 =	vsel vm11, v39, v27;
	v19 =	vsel vm9, v21, v19;
	v4 =	vsel vm9, v6, v4  }
0x54: {  	v14 =	vsel vm1, v39, v24;
	v24 =	vsel vm1, v24, v31;
	v31 =	vsel vm11, s13, v10  }
0x55: {  	v63 =	vsel vm1, s13, v11;
	v11 =	vsel vm1, v11, v31;
	v31 =	vsel vm12, v39, v26  }
0x56: {  	v10 =	vsel vm11, v10, v48;
	v27 =	vsel vm11, v27, v31;
	v31 =	vsel vm13, v39, v25  }
0x57: {  	v25 =	vsel vm13, v25, v49;
	v26 =	vsel vm12, v26, v31;
	v31 =	vsel vm13, s13, v8  }
0x58: {  	vm11 =	vgt.f32 v36, v37;
	vm2 =	vgt.f32 v36, v32;
	vm1 =	vgt.f32 v36, v30  }
0x59: {  	vm0 =	vgt.f32 v36, v29;
	vm3 =	vgt.f32 v36, v28;
	v9 =	vsel vm12, v9, v31  }
0x5a: {  	v31 =	vsel vm14, s13, v7;
	v7 =	vsel vm14, v7, v50;
	vm12 =	vgt.f32 v36, v54  }
0x5b: {  	v56 =	vsel vm2, v36, v32;
	v57 =	vsel vm2, s14, v16;
	v58 =	vsel vm1, v36, v30  }
0x5c: {  	v59 =	vsel vm1, s14, v15;
	v42 =	vsel vm0, s14, v12;
	v13 =	vsel vm3, s14, v13  }
0x5d: {  	s25 =	sadd.s32 $0x2, s13;
	v60 =	vsel vm0, v36, v29;
	v8 =	vsel vm13, v8, v31;
	v31 =	vsel vm15, v39, v22  }
0x5e: {  	v50 =	vor.u32 s25, v3;
	v23 =	vsel vm14, v23, v31;
	v31 =	vsel vm9, v39, v21  }
0x5f: {  	v22 =	vsel vm15, v22, v31;
	v31 =	vsel vm9, s13, v6;
	v6 =	vor.u32 s14, v2  }
0x60: {  	v28 =	vsel vm3, v36, v28;
	vm13 =	vgt.f32 v36, v45;
	v51 =	vsel vm12, s14, v20  }
0x61: {  	v32 =	vsel vm2, v32, v58;
	v16 =	vsel vm2, v16, v59;
	v30 =	vsel vm1, v30, v60  }
0x62: {  	s26 =	sadd.s32 $0x3, s13;
	v15 =	vsel vm1, v15, v42;
	v28 =	vsel vm0, v29, v28;
	v12 =	vsel vm0, v12, v13  }
0x63: {  	v60 =	vor.u32 s26, v3;
	vm14 =	vgt.f32 v36, v47;
	v21 =	vsel vm11, v36, v37  }
0x64: {  	v39 =	vsel vm11, s14, v40;
	v52 =	vsel vm13, v36, v45;
	v53 =	vsel vm13, s14, v18;
	v6 =	vld.idx.msk [tilespmem:v6+s2+$0x0], $0xffff  }
0x65: {  	v34 =	vsel vm12, v54, v52;
	v20 =	vsel vm12, v20, v53;
	v55 =	vsel vm14, s14, v17  }
0x66: {  	v33 =	vsel vm14, v47, v56;
	v17 =	vsel vm14, v17, v57;
	v5 =	vsel vm15, v5, v31  }
0x67: {  	v31 =	vsel vm12, v36, v54;
	v54 =	vsel vm14, v36, v47;
	v18 =	vsel vm13, v18, v55  }
0x68: {  	v31 =	vsel vm11, v37, v31;
	v37 =	vsel vm11, v40, v51;
	v35 =	vsel vm13, v45, v54  }
0x69: {  	vm10 =	vgt.f32 v6, v14;
	vm11 =	vgt.f32 v6, v24;
	vm9 =	vgt.f32 v6, v27  }
0x6a: {  	vm15 =	vgt.f32 v6, v26;
	vm12 =	vgt.f32 v6, v25;
	vm13 =	vgt.f32 v6, v23  }
0x6b: {  	vm14 =	vgt.f32 v6, v22;
	vm8 =	vgt.f32 v6, v19;
	v43 =	vsel vm10, s14, v63  }
0x6c: {  	v44 =	vsel vm11, s14, v11;
	v45 =	vsel vm9, s14, v10;
	v46 =	vsel vm15, s14, v9  }
0x6d: {  	v47 =	vsel vm12, s14, v8;
	v48 =	vsel vm13, s14, v7;
	v49 =	vsel vm14, s14, v5  }
0x6e: {  	v4 =	vsel vm8, s14, v4;
	v29 =	vsel vm11, v6, v24;
	v13 =	vsel vm10, v6, v14  }
0x6f: {  	v61 =	vsel vm9, v6, v27;
	v62 =	vsel vm15, v6, v26;
	v14 =	vsel vm10, v14, v29  }
0x70: {  	v29 =	vsel vm10, v63, v44;
	v24 =	vsel vm11, v24, v61;
	v11 =	vsel vm11, v11, v45  }
0x71: {  	v27 =	vsel vm9, v27, v62;
	v63 =	vld.idx.msk [tilespmem:v50+s2+$0x0], $0xffff;
	v10 =	vsel vm9, v10, v46;
	v45 =	vsel vm12, v6, v25  }
0x72: {  	v46 =	vsel vm13, v6, v23;
	v9 =	vsel vm15, v9, v47;
	v8 =	vsel vm12, v8, v48  }
0x73: {  	v48 =	vsel vm14, v6, v22;
	v6 =	vsel vm8, v6, v19;
	v7 =	vsel vm13, v7, v49  }
0x74: {  	v4 =	vsel vm14, v5, v4;
	v5 =	vor.u32 s25, v2;
	v26 =	vsel vm15, v26, v45  }
0x75: {  	v25 =	vsel vm12, v25, v46;
	v19 =	vsel vm13, v23, v48;
	v6 =	vsel vm14, v22, v6  }
0x76: {  	vm15 =	vgt.f32 v63, v21;
	vm9 =	vgt.f32 v63, v31;
	vm10 =	vgt.f32 v63, v34  }
0x77: {  	vm11 =	vgt.f32 v63, v35;
	vm2 =	vgt.f32 v63, v33;
	vm1 =	vgt.f32 v63, v32  }
0x78: {  	vm0 =	vgt.f32 v63, v30;
	vm3 =	vgt.f32 v63, v28;
	v22 =	vsel vm15, v63, v21  }
0x79: {  	v23 =	vsel vm9, v63, v31;
	v38 =	vsel vm15, s25, v39;
	v50 =	vsel vm10, v63, v34  }
0x7a: {  	v51 =	vsel vm10, s25, v20;
	v52 =	vsel vm11, v63, v35;
	v53 =	vsel vm11, s25, v18  }
0x7b: {  	v54 =	vsel vm2, v63, v33;
	v55 =	vsel vm2, s25, v17;
	v56 =	vsel vm1, v63, v32  }
0x7c: {  	v57 =	vsel vm1, s25, v16;
	v58 =	vsel vm0, s25, v15;
	v12 =	vsel vm3, s25, v12  }
0x7d: {  	v59 =	vsel vm0, v63, v30;
	v28 =	vsel vm3, v63, v28;
	v21 =	vsel vm15, v21, v23  }
0x7e: {  	v5 =	vld.idx.msk [tilespmem:v5+s2+$0x0], $0xffff;
	v23 =	vsel vm9, s25, v37;
	v31 =	vsel vm9, v31, v50;
	v37 =	vsel vm9, v37, v51  }
0x7f: {  	v34 =	vsel vm10, v34, v52;
	v20 =	vsel vm10, v20, v53;
	v35 =	vsel vm11, v35, v54  }
0x80: {  	v18 =	vsel vm11, v18, v55;
	v33 =	vsel vm2, v33, v56;
	v17 =	vsel vm2, v17, v57  }
0x81: {  	s28 =	sadd.s32 $0x4, s13;
	v32 =	vsel vm1, v32, v59;
	v16 =	vsel vm1, v16, v58;
	v28 =	vsel vm0, v30, v28  }
0x82: {  	v12 =	vsel vm0, v15, v12;
	v59 =	vor.u32 s28, v3;
	v23 =	vsel vm15, v39, v23  }
0x83: {  	vm10 =	vgt.f32 v5, v13;
	vm11 =	vgt.f32 v5, v14;
	vm9 =	vgt.f32 v5, v24  }
0x84: {  	v63 =	vld.idx.msk [tilespmem:v60+s2+$0x0], $0xffff;
	vm7 =	vgt.f32 v5, v27;
	vm12 =	vgt.f32 v5, v26;
	vm13 =	vgt.f32 v5, v25  }
0x85: {  	vm14 =	vgt.f32 v5, v19;
	vm15 =	vgt.f32 v5, v6;
	v42 =	vsel vm10, s25, v43  }
0x86: {  	v44 =	vsel vm11, s25, v29;
	v45 =	vsel vm9, s25, v11;
	v46 =	vsel vm7, s25, v10  }
0x87: {  	v47 =	vsel vm12, s25, v9;
	v48 =	vsel vm13, s25, v8;
	v49 =	vsel vm14, s25, v7  }
0x88: {  	v4 =	vsel vm15, s25, v4;
	v30 =	vsel vm11, v5, v14;
	v15 =	vsel vm10, v5, v13  }
0x89: {  	v61 =	vsel vm9, v5, v24;
	v62 =	vsel vm7, v5, v27;
	vm2 =	vgt.f32 v63, v35  }
0x8a: {  	vm1 =	vgt.f32 v63, v33;
	vm0 =	vgt.f32 v63, v32;
	vm3 =	vgt.f32 v63, v28  }
0x8b: {  	v13 =	vsel vm10, v13, v30;
	v30 =	vsel vm10, v43, v44;
	v14 =	vsel vm11, v14, v61  }
0x8c: {  	v29 =	vsel vm11, v29, v45;
	v24 =	vsel vm9, v24, v62;
	v11 =	vsel vm9, v11, v46  }
0x8d: {  	v45 =	vsel vm12, v5, v26;
	v46 =	vsel vm13, v5, v25;
	v10 =	vsel vm7, v10, v47  }
0x8e: {  	v9 =	vsel vm12, v9, v48;
	v48 =	vsel vm14, v5, v19;
	v5 =	vsel vm15, v5, v6  }
0x8f: {  	v8 =	vsel vm13, v8, v49;
	v4 =	vsel vm14, v7, v4;
	vm11 =	vgt.f32 v63, v22  }
0x90: {  	v7 =	vor.u32 s26, v2;
	v54 =	vsel vm2, v63, v35;
	v55 =	vsel vm2, s26, v18  }
0x91: {  	v56 =	vsel vm1, v63, v33;
	v57 =	vsel vm1, s26, v17;
	v41 =	vsel vm0, s26, v16  }
0x92: {  	v12 =	vsel vm3, s26, v12;
	v58 =	vsel vm0, v63, v32;
	v28 =	vsel vm3, v63, v28  }
0x93: {  	v27 =	vsel vm7, v27, v45;
	v26 =	vsel vm12, v26, v46;
	v6 =	vsel vm13, v25, v48  }
0x94: {  	v5 =	vsel vm14, v19, v5;
	vm12 =	vgt.f32 v63, v21;
	vm13 =	vgt.f32 v63, v31  }
0x95: {  	vm14 =	vgt.f32 v63, v34;
	v19 =	vsel vm11, v63, v22;
	v39 =	vsel vm11, s26, v38  }
0x96: {  	v35 =	vsel vm2, v35, v56;
	v18 =	vsel vm2, v18, v57;
	v33 =	vsel vm1, v33, v58  }
0x97: {  	v17 =	vsel vm1, v17, v41;
	v28 =	vsel vm0, v32, v28;
	v12 =	vsel vm0, v16, v12  }
0x98: {  	v25 =	vsel vm12, v63, v21;
	v50 =	vsel vm13, v63, v31;
	v52 =	vsel vm14, v63, v34;
	v63 =	vld.idx.msk [tilespmem:v59+s2+$0x0], $0xffff  }
0x99: {  	s29 =	sadd.s32 $0x5, s13;
	v51 =	vsel vm13, s26, v37;
	v53 =	vsel vm14, s26, v20;
	v34 =	vsel vm14, v34, v54  }
0x9a: {  	v20 =	vsel vm14, v20, v55;
	v59 =	vor.u32 s29, v3;
	v22 =	vsel vm11, v22, v25  }
0x9b: {  	v25 =	vsel vm12, s26, v23;
	v21 =	vsel vm12, v21, v50;
	v23 =	vsel vm12, v23, v51  }
0x9c: {  	v31 =	vsel vm13, v31, v52;
	v37 =	vsel vm13, v37, v53;
	v25 =	vsel vm11, v38, v25  }
0x9d: {  	vm2 =	vgt.f32 v63, v34;
	vm1 =	vgt.f32 v63, v35;
	vm0 =	vgt.f32 v63, v33  }
0x9e: {  	v7 =	vld.idx.msk [tilespmem:v7+s2+$0x0], $0xffff;
	vm3 =	vgt.f32 v63, v28;
	v54 =	vsel vm2, v63, v34;
	v55 =	vsel vm2, s28, v20  }
0x9f: {  	v56 =	vsel vm1, v63, v35;
	v57 =	vsel vm1, s28, v18;
	v41 =	vsel vm0, s28, v17  }
0xa0: {  	v12 =	vsel vm3, s28, v12;
	v58 =	vsel vm0, v63, v33;
	v28 =	vsel vm3, v63, v28  }
0xa1: {  	v34 =	vsel vm2, v34, v56;
	v20 =	vsel vm2, v20, v57;
	v35 =	vsel vm1, v35, v58  }
0xa2: {  	v18 =	vsel vm1, v18, v41;
	v28 =	vsel vm0, v33, v28;
	v12 =	vsel vm0, v17, v12  }
0xa3: {  	vm10 =	vgt.f32 v7, v15;
	vm11 =	vgt.f32 v7, v13;
	vm9 =	vgt.f32 v7, v14  }
0xa4: {  	vm7 =	vgt.f32 v7, v24;
	vm15 =	vgt.f32 v7, v27;
	vm12 =	vgt.f32 v7, v26  }
0xa5: {  	vm13 =	vgt.f32 v7, v6;
	vm14 =	vgt.f32 v7, v5;
	v43 =	vsel vm10, s26, v42  }
0xa6: {  	v44 =	vsel vm11, s26, v30;
	v45 =	vsel vm9, s26, v29;
	v46 =	vsel vm7, s26, v11  }
0xa7: {  	v47 =	vsel vm15, s26, v10;
	v48 =	vsel vm12, s26, v9;
	v49 =	vsel vm13, s26, v8  }
0xa8: {  	v4 =	vsel vm14, s26, v4;
	v60 =	vsel vm11, v7, v13;
	v16 =	vsel vm10, v7, v15  }
0xa9: {  	v61 =	vsel vm9, v7, v14;
	v62 =	vsel vm7, v7, v24;
	v5 =	vsel vm14, v7, v5  }
0xaa: {  	v15 =	vsel vm10, v15, v60;
	v32 =	vsel vm10, v42, v44;
	v13 =	vsel vm11, v13, v61  }
0xab: {  	v30 =	vsel vm11, v30, v45;
	v14 =	vsel vm9, v14, v62;
	v29 =	vsel vm9, v29, v46  }
0xac: {  	v45 =	vsel vm15, v7, v27;
	v46 =	vsel vm12, v7, v26;
	v11 =	vsel vm7, v11, v47  }
0xad: {  	v10 =	vsel vm15, v10, v48;
	v48 =	vsel vm13, v7, v6;
	v9 =	vsel vm12, v9, v49  }
0xae: {  	v5 =	vsel vm13, v6, v5;
	v4 =	vsel vm13, v8, v4;
	v6 =	vor.u32 s28, v2  }
0xaf: {  	vm9 =	vgt.f32 v63, v22;
	vm10 =	vgt.f32 v63, v21;
	vm11 =	vgt.f32 v63, v31  }
0xb0: {  	v24 =	vsel vm7, v24, v45;
	v27 =	vsel vm15, v27, v46;
	v7 =	vsel vm12, v26, v48  }
0xb1: {  	vm15 =	vgt.f32 v63, v19;
	v26 =	vsel vm9, v63, v22;
	v50 =	vsel vm10, v63, v21  }
0xb2: {  	v51 =	vsel vm10, s28, v23;
	v52 =	vsel vm11, v63, v31;
	v8 =	vsel vm15, v63, v19;
	v63 =	vld.idx.msk [tilespmem:v59+s2+$0x0], $0xffff  }
0xb3: {  	v53 =	vsel vm11, s28, v37;
	v31 =	vsel vm11, v31, v54;
	v37 =	vsel vm11, v37, v55  }
0xb4: {  	v38 =	vsel vm15, s28, v39;
	v19 =	vsel vm15, v19, v26;
	v26 =	vsel vm9, s28, v25  }
0xb5: {  	s30 =	sadd.s32 $0x6, s13;
	v22 =	vsel vm9, v22, v50;
	v25 =	vsel vm9, v25, v51;
	v21 =	vsel vm10, v21, v52  }
0xb6: {  	v23 =	vsel vm10, v23, v53;
	v59 =	vor.u32 s30, v3;
	v26 =	vsel vm15, v39, v26  }
0xb7: {  	vm2 =	vgt.f32 v63, v31;
	vm1 =	vgt.f32 v63, v34;
	vm0 =	vgt.f32 v63, v35  }
0xb8: {  	v6 =	vld.idx.msk [tilespmem:v6+s2+$0x0], $0xffff;
	vm3 =	vgt.f32 v63, v28;
	v54 =	vsel vm2, v63, v31;
	v55 =	vsel vm2, s29, v37  }
0xb9: {  	v56 =	vsel vm1, v63, v34;
	v57 =	vsel vm1, s29, v20;
	v41 =	vsel vm0, s29, v18  }
0xba: {  	v12 =	vsel vm3, s29, v12;
	v58 =	vsel vm0, v63, v35;
	v28 =	vsel vm3, v63, v28  }
0xbb: {  	v31 =	vsel vm2, v31, v56;
	v37 =	vsel vm2, v37, v57;
	v34 =	vsel vm1, v34, v58  }
0xbc: {  	v20 =	vsel vm1, v20, v41;
	v28 =	vsel vm0, v35, v28;
	v12 =	vsel vm0, v18, v12  }
0xbd: {  	vm10 =	vgt.f32 v6, v16;
	vm11 =	vgt.f32 v6, v15;
	vm9 =	vgt.f32 v6, v13  }
0xbe: {  	vm7 =	vgt.f32 v6, v14;
	vm12 =	vgt.f32 v6, v24;
	vm13 =	vgt.f32 v6, v27  }
0xbf: {  	vm14 =	vgt.f32 v6, v7;
	vm15 =	vgt.f32 v6, v5;
	v42 =	vsel vm10, s28, v43  }
0xc0: {  	v44 =	vsel vm11, s28, v32;
	v45 =	vsel vm9, s28, v30;
	v46 =	vsel vm7, s28, v29  }
0xc1: {  	v47 =	vsel vm12, s28, v11;
	v48 =	vsel vm13, s28, v10;
	v49 =	vsel vm14, s28, v9  }
0xc2: {  	v4 =	vsel vm15, s28, v4;
	v60 =	vsel vm11, v6, v15;
	v17 =	vsel vm10, v6, v16  }
0xc3: {  	v61 =	vsel vm9, v6, v13;
	v62 =	vsel vm7, v6, v14;
	v5 =	vsel vm15, v6, v5  }
0xc4: {  	v16 =	vsel vm10, v16, v60;
	v33 =	vsel vm10, v43, v44;
	v15 =	vsel vm11, v15, v61  }
0xc5: {  	v32 =	vsel vm11, v32, v45;
	v13 =	vsel vm9, v13, v62;
	v30 =	vsel vm9, v30, v46  }
0xc6: {  	v45 =	vsel vm12, v6, v24;
	v46 =	vsel vm13, v6, v27;
	v11 =	vsel vm12, v11, v48  }
0xc7: {  	v48 =	vsel vm14, v6, v7;
	v10 =	vsel vm13, v10, v49;
	v5 =	vsel vm14, v7, v5  }
0xc8: {  	v4 =	vsel vm14, v9, v4;
	vm11 =	vgt.f32 v63, v8;
	v7 =	vor.u32 s29, v2  }
0xc9: {  	vm14 =	vgt.f32 v63, v21;
	v24 =	vsel vm12, v24, v46;
	v6 =	vsel vm13, v27, v48  }
0xca: {  	vm12 =	vgt.f32 v63, v19;
	vm13 =	vgt.f32 v63, v22;
	v9 =	vsel vm11, v63, v8  }
0xcb: {  	v52 =	vsel vm14, v63, v21;
	v27 =	vsel vm12, v63, v19;
	v50 =	vsel vm13, v63, v22;
	v63 =	vld.idx.msk [tilespmem:v59+s2+$0x0], $0xffff  }
0xcc: {  	v29 =	vsel vm7, v29, v47;
	v14 =	vsel vm7, v14, v45;
	v39 =	vsel vm11, s29, v38  }
0xcd: {  	v53 =	vsel vm14, s29, v23;
	v21 =	vsel vm14, v21, v54;
	v23 =	vsel vm14, v23, v55  }
0xce: {  	v51 =	vsel vm13, s29, v25;
	v22 =	vsel vm13, v22, v52;
	v25 =	vsel vm13, v25, v53  }
0xcf: {  	v8 =	vsel vm11, v8, v27;
	v27 =	vsel vm12, s29, v26;
	v19 =	vsel vm12, v19, v50;
	v7 =	vld.idx.msk [tilespmem:v7+s2+$0x0], $0xffff  }
0xd0: {  	v26 =	vsel vm12, v26, v51;
	v27 =	vsel vm11, v38, v27;
	vm2 =	vgt.f32 v63, v21  }
0xd1: {  	vm1 =	vgt.f32 v63, v31;
	vm0 =	vgt.f32 v63, v34;
	vm3 =	vgt.f32 v63, v28  }
0xd2: {  	v57 =	vsel vm2, v63, v21;
	v58 =	vsel vm2, s30, v23;
	v59 =	vsel vm1, v63, v31  }
0xd3: {  	v41 =	vsel vm0, s30, v20;
	v12 =	vsel vm3, s30, v12;
	v28 =	vsel vm3, v63, v28  }
0xd4: {  	v21 =	vsel vm2, v21, v59;
	vm10 =	vgt.f32 v7, v17;
	vm11 =	vgt.f32 v7, v16  }
0xd5: {  	vm9 =	vgt.f32 v7, v15;
	vm7 =	vgt.f32 v7, v13;
	vm15 =	vgt.f32 v7, v14  }
0xd6: {  	vm12 =	vgt.f32 v7, v24;
	vm13 =	vgt.f32 v7, v6;
	vm14 =	vgt.f32 v7, v5  }
0xd7: {  	v43 =	vsel vm10, s29, v42;
	v44 =	vsel vm11, s29, v33;
	v45 =	vsel vm9, s29, v32  }
0xd8: {  	v46 =	vsel vm7, s29, v30;
	v47 =	vsel vm15, s29, v29;
	v48 =	vsel vm12, s29, v11  }
0xd9: {  	v49 =	vsel vm13, s29, v10;
	v4 =	vsel vm14, s29, v4;
	v60 =	vsel vm11, v7, v16  }
0xda: {  	v18 =	vsel vm10, v7, v17;
	v61 =	vsel vm9, v7, v15;
	v62 =	vsel vm7, v7, v13  }
0xdb: {  	v50 =	vsel vm15, v7, v14;
	v51 =	vsel vm12, v7, v24;
	v52 =	vsel vm13, v7, v6  }
0xdc: {  	v5 =	vsel vm14, v7, v5;
	v17 =	vsel vm10, v17, v60;
	v35 =	vsel vm10, v42, v44  }
0xdd: {  	v16 =	vsel vm11, v16, v61;
	v33 =	vsel vm11, v33, v45;
	v15 =	vsel vm9, v15, v62  }
0xde: {  	v32 =	vsel vm9, v32, v46;
	v13 =	vsel vm7, v13, v50;
	v30 =	vsel vm7, v30, v47  }
0xdf: {  	v14 =	vsel vm15, v14, v51;
	v29 =	vsel vm15, v29, v48;
	v7 =	vsel vm12, v24, v52  }
0xe0: {  	v11 =	vsel vm12, v11, v49;
	v5 =	vsel vm13, v6, v5;
	v6 =	vor.u32 s30, v2  }
0xe1: {  	v4 =	vsel vm13, v10, v4;
	vm15 =	vgt.f32 v63, v9;
	vm9 =	vgt.f32 v63, v8  }
0xe2: {  	s31 =	sadd.s32 $0x7, s13;
	vm10 =	vgt.f32 v63, v19;
	vm11 =	vgt.f32 v63, v22;
	v60 =	vsel vm1, s30, v37  }
0xe3: {  	v61 =	vsel vm0, v63, v34;
	v62 =	vor.u32 s31, v3;
	v10 =	vsel vm15, v63, v9  }
0xe4: {  	v24 =	vsel vm9, v63, v8;
	v38 =	vsel vm15, s30, v39;
	v53 =	vsel vm10, v63, v19  }
0xe5: {  	v54 =	vsel vm10, s30, v26;
	v55 =	vsel vm11, v63, v22;
	v56 =	vsel vm11, s30, v25;
	v6 =	vld.idx.msk [tilespmem:v6+s2+$0x0], $0xffff  }
0xe6: {  	v22 =	vsel vm11, v22, v57;
	v25 =	vsel vm11, v25, v58;
	v23 =	vsel vm2, v23, v60  }
0xe7: {  	v31 =	vsel vm1, v31, v61;
	v63 =	vsel vm1, v37, v41;
	v57 =	vsel vm0, v34, v28  }
0xe8: {  	v58 =	vsel vm0, v20, v12;
	v9 =	vsel vm15, v9, v24;
	v24 =	vsel vm9, s30, v27;
	v50 =	vld.idx.msk [tilespmem:v62+s2+$0x0], $0xffff  }
0xe9: {  	v8 =	vsel vm9, v8, v53;
	v27 =	vsel vm9, v27, v54;
	v19 =	vsel vm10, v19, v55  }
0xea: {  	v26 =	vsel vm10, v26, v56;
	v24 =	vsel vm15, v39, v24;
	vm4 =	vgt.f32 v6, v18  }
0xeb: {  	vm9 =	vgt.f32 v6, v17;
	vm10 =	vgt.f32 v6, v16;
	vm11 =	vgt.f32 v6, v15  }
0xec: {  	vm12 =	vgt.f32 v6, v13;
	vm13 =	vgt.f32 v6, v14;
	vm14 =	vgt.f32 v6, v7  }
0xed: {  	vm15 =	vgt.f32 v6, v5;
	vm0 =	vgt.f32 v50, v10;
	v42 =	vsel vm4, s30, v43  }
0xee: {  	v44 =	vsel vm9, s30, v35;
	v45 =	vsel vm10, s30, v33;
	v46 =	vsel vm11, s30, v32  }
0xef: {  	v47 =	vsel vm12, s30, v30;
	v48 =	vsel vm13, s30, v29;
	v49 =	vsel vm14, s30, v11  }
0xf0: {  	v4 =	vsel vm15, s30, v4;
	v28 =	vsel vm11, v6, v15;
	v12 =	vsel vm10, v6, v16  }
0xf1: {  	v53 =	vsel vm4, v6, v18;
	v5 =	vsel vm15, v6, v5;
	vm15 =	vgt.f32 v50, v57  }
0xf2: {  	v34 =	vsel vm0, v50, v10;
	v20 =	vsel vm0, s31, v38;
	v59 =	vsel vm10, v33, v46  }
0xf3: {  	v60 =	vsel vm10, v16, v28;
	v45 =	vsel vm9, v35, v45;
	v16 =	vsel vm12, v6, v13  }
0xf4: {  	v47 =	vsel vm11, v32, v47;
	v51 =	vsel vm9, v17, v12;
	v12 =	vsel vm9, v6, v17  }
0xf5: {  	v48 =	vsel vm12, v30, v48;
	v49 =	vsel vm13, v29, v49;
	v4 =	vsel vm14, v11, v4  }
0xf6: {  	vm9 =	vgt.f32 v50, v9;
	vm10 =	vgt.f32 v50, v8;
	v11 =	vor.u32 s31, v2  }
0xf7: {  	v61 =	vsel vm11, v15, v16;
	v15 =	vsel vm13, v6, v14;
	v52 =	vsel vm4, v18, v12  }
0xf8: {  	v6 =	vsel vm14, v6, v7;
	vm11 =	vgt.f32 v50, v19;
	v62 =	vsel vm12, v13, v15  }
0xf9: {  	v54 =	vsel vm13, v14, v6;
	v6 =	vsel vm14, v7, v5;
	vm12 =	vgt.f32 v50, v22  }
0xfa: {  	vm13 =	vgt.f32 v50, v21;
	vm14 =	vgt.f32 v50, v31;
	v5 =	vsel vm12, v50, v22  }
0xfb: {  	v7 =	vsel vm13, v50, v21;
	v30 =	vsel vm11, v19, v5;
	v5 =	vsel vm14, v50, v31  }
0xfc: {  	v29 =	vsel vm12, v22, v7;
	v7 =	vsel vm11, v50, v19;
	v28 =	vsel vm13, v21, v5  }
0xfd: {  	v5 =	vsel vm13, s31, v23;
	v32 =	vsel vm10, v8, v7;
	v7 =	vsel vm10, v50, v8  }
0xfe: {  	v19 =	vld.idx.msk [tilespmem:v11+s2+$0x0], $0xffff;
	v12 =	vsel vm12, v25, v5;
	v5 =	vsel vm12, s31, v25;
	v33 =	vsel vm9, v9, v7  }
0xff: {  	v7 =	vsel vm9, v50, v9;
	v15 =	vsel vm11, v26, v5;
	v5 =	vsel vm11, s31, v26  }
0x100: {  	v35 =	vsel vm0, v10, v7;
	v16 =	vsel vm10, v27, v5;
	v5 =	vsel vm10, s31, v27  }
0x101: {  	v7 =	vsel vm14, s31, v63;
	v17 =	vsel vm9, v24, v5;
	v5 =	vsel vm9, s31, v24  }
0x102: {  	v43 =	vsel vm4, v43, v44;
	v14 =	vsel vm13, v23, v7;
	v18 =	vsel vm0, v38, v5  }
0x103: {  	v5 =	vsel vm15, v50, v57;
	vm0 =	vgt.f32 v19, v53;
	vm9 =	vgt.f32 v19, v52  }
0x104: {  	vm10 =	vgt.f32 v19, v51;
	vm11 =	vgt.f32 v19, v60;
	vm12 =	vgt.f32 v19, v61  }
0x105: {  	vm13 =	vgt.f32 v19, v62;
	v31 =	vsel vm14, v31, v5;
	v5 =	vsel vm15, s31, v58  }
0x106: {  	vm15 =	vgt.f32 v19, v6;
	v24 =	vsel vm0, v19, v53;
	v7 =	vsel vm10, v19, v51  }
0x107: {  	v9 =	vsel vm10, s31, v45;
	v10 =	vsel vm9, s31, v43;
	v11 =	vsel vm0, s31, v42  }
0x108: {  	v13 =	vsel vm14, v63, v5;
	vm14 =	vgt.f32 v19, v54;
	v5 =	vsel vm9, v19, v52  }
0x109: {  	v26 =	vsel vm9, v52, v7;
	v7 =	vsel vm12, v19, v61;
	v9 =	vsel vm9, v43, v9  }
0x10a: {  	v10 =	vsel vm0, v42, v10;
	v4 =	vsel vm15, s31, v4;
	v27 =	vsel vm0, v53, v5  }
0x10b: {  	p0 =	slt.u32 s13, $0x38;
	v5 =	vsel vm11, v19, v60;
	v23 =	vsel vm11, v60, v7;
	v21 =	vsel vm14, v19, v54  }
.Ltmp1:
0x10c: {  	v63 =	vsel vm14, s31, v49;
	v25 =	vsel vm10, v51, v5;
	v5 =	vsel vm11, s31, v59;
	(pc) =	sbr.rel @p0 .LBB2_5-.Ltmp1, $4  }
0x10d: {  	v4 =	vsel vm14, v49, v4;
	v8 =	vsel vm10, v45, v5;
	v5 =	vsel vm12, s31, v47  }
0x10e: {  	v21 =	vsel vm13, v62, v21;
	v7 =	vsel vm11, v59, v5;
	v5 =	vsel vm13, v19, v62  }
0x10f: {  	v19 =	vsel vm15, v19, v6;
	v22 =	vsel vm12, v61, v5;
	v5 =	vsel vm13, s31, v48  }
0x110: {  	s13 =	sadd.s32 $0x8, s13;
	v6 =	vsel vm13, v48, v63;
	v19 =	vsel vm14, v54, v19;
	v5 =	vsel vm12, v47, v5  }
0x111: {  	v36 =	vsub.f32 v34, v34  }
0x112: {  	v35 =	vsub.f32 v35, v34  }
0x113: {  	v36 =	vmul.f32 $1.442695020e+00, v36  }
0x114: {  	v33 =	vsub.f32 v33, v34;
	v35 =	vmul.f32 $1.442695020e+00, v35  }
0x115: {  	(erf) = vpow2.f32 v36  }
0x116: {  	v32 =	vsub.f32 v32, v34;
	v33 =	vmul.f32 $1.442695020e+00, v33;
	(erf) = vpow2.f32 v35;
	_ =	sdelay $0x1  }
0x117: {  	v30 =	vsub.f32 v30, v34;
	v32 =	vmul.f32 $1.442695020e+00, v32;
	(erf) = vpow2.f32 v33;
	_ =	sdelay $0x1  }
0x118: {  	v29 =	vsub.f32 v29, v34;
	v30 =	vmul.f32 $1.442695020e+00, v30;
	(erf) = vpow2.f32 v32;
	_ =	sdelay $0x1  }
0x119: {  	v28 =	vsub.f32 v28, v34;
	v29 =	vmul.f32 $1.442695020e+00, v29;
	(erf) = vpow2.f32 v30;
	_ =	sdelay $0x1  }
0x11a: {  	v46 =	vsub.f32 v31, v34;
	v28 =	vmul.f32 $1.442695020e+00, v28;
	v45 =	vpop (erf);
	(erf) = vpow2.f32 v29  }
0x11b: {  	v47 =	vpop (erf)  }
0x11c: {  	v48 =	vmul.f32 $1.442695020e+00, v46;
	(erf) = vpow2.f32 v28;
	v49 =	vadd.f32 v47, v45  }
0x11d: {  	v50 =	vpop (erf)  }
0x11e: {  	(erf) = vpow2.f32 v48;
	v51 =	vadd.f32 v50, v49  }
0x11f: {  	v52 =	vpop (erf)  }
0x120: {  	v28 =	vadd.f32 v52, v51  }
0x121: {  	v53 =	vpop (erf)  }
0x122: {  	v28 =	vadd.f32 v53, v28  }
0x123: {  	v34 =	vpop (erf)  }
0x124: {  	v28 =	vadd.f32 v34, v28  }
0x125: {  	v35 =	vpop (erf)  }
0x126: {  	v28 =	vadd.f32 v35, v28  }
0x127: {  	v37 =	vsub.f32 v24, v24;
	v36 =	vpop (erf)  }
0x128: {  	v27 =	vsub.f32 v27, v24;
	v28 =	vadd.f32 v36, v28  }
0x129: {  	v37 =	vmul.f32 $1.442695020e+00, v37  }
0x12a: {  	v26 =	vsub.f32 v26, v24;
	v27 =	vmul.f32 $1.442695020e+00, v27;
	(erf) = vrcp.f32 v28  }
0x12b: {  	(erf) = vpow2.f32 v37  }
0x12c: {  	v25 =	vsub.f32 v25, v24;
	v26 =	vmul.f32 $1.442695020e+00, v26;
	(erf) = vpow2.f32 v27  }
0x12d: {  	v23 =	vsub.f32 v23, v24  }
0x12e: {  	v25 =	vmul.f32 $1.442695020e+00, v25;
	(erf) = vpow2.f32 v26  }
0x12f: {  	v22 =	vsub.f32 v22, v24;
	v23 =	vmul.f32 $1.442695020e+00, v23  }
0x130: {  	(erf) = vpow2.f32 v25  }
0x131: {  	v22 =	vmul.f32 $1.442695020e+00, v22  }
0x132: {  	v21 =	vsub.f32 v21, v24;
	(erf) = vpow2.f32 v23  }
0x133: {  	v23 =	vpop (erf)  }
0x134: {  	v19 =	vsub.f32 v19, v24;
	v21 =	vmul.f32 $1.442695020e+00, v21;
	(erf) = vpow2.f32 v22;
	v25 =	vpop (erf)  }
0x135: {  	v22 =	vpop (erf)  }
0x136: {  	v19 =	vmul.f32 $1.442695020e+00, v19;
	(erf) = vpow2.f32 v21;
	v54 =	vadd.f32 v22, v25  }
0x137: {  	v24 =	vpop (erf)  }
0x138: {  	v56 =	vand.u32 $0xFFFFFF80, v20;
	(erf) = vpow2.f32 v19;
	v55 =	vadd.f32 v24, v54  }
0x139: {  	v57 =	vand.u32 $0x7F, v20;
	v58 =	vand.u32 $0xFFFFFF80, v18;
	v59 =	vand.u32 $0x7F, v18;
	v21 =	vpop (erf)  }
0x13a: {  	v60 =	vand.u32 $0xFFFFFF80, v17;
	v26 =	vadd.s32 v3, v56;
	v19 =	vadd.f32 v21, v55  }
0x13b: {  	v39 =	vand.u32 $0x7F, v17;
	v41 =	vor.u32 $0x1, v3;
	v26 =	vor.u32 v57, v26;
	v28 =	vpop (erf)  }
0x13c: {  	v61 =	vand.u32 $0xFFFFFF80, v16;
	v27 =	vadd.s32 v3, v58;
	v19 =	vadd.f32 v28, v19  }
0x13d: {  	v42 =	vand.u32 $0x7F, v16;
	v62 =	vor.u32 $0x2, v3;
	v27 =	vor.u32 v59, v27;
	v38 =	vpop (erf)  }
0x13e: {  	v37 =	vadd.s32 v3, v60;
	v30 =	vmul.f32 v23, v45;
	v19 =	vadd.f32 v38, v19  }
0x13f: {  	v46 =	vand.u32 $0x7F, v15;
	v37 =	vor.u32 v39, v37;
	v39 =	vadd.s32 v3, v61;
	v40 =	vpop (erf)  }
0x140: {  	v48 =	vor.u32 $0x3, v3;
	v31 =	vmul.f32 v23, v47;
	[tilespmem:v26+s8+$0x0] =	vst.idx.msk $0xffff, v30;
	v19 =	vadd.f32 v40, v19  }
0x141: {  	v63 =	vor.u32 v42, v39;
	v45 =	vand.u32 $0xFFFFFF80, v15;
	v47 =	vmul.f32 v23, v50;
	[tilespmem:v3+s9+$0x0] =	vst.idx.msk $0xffff, v20;
	v42 =	vpop (erf)  }
0x142: {  	v51 =	vor.u32 $0x4, v3;
	v39 =	vadd.s32 v3, v45;
	[tilespmem:v27+s8+$0x0] =	vst.idx.msk $0xffff, v31;
	v19 =	vadd.f32 v42, v19  }
0x143: {  	v49 =	vmul.f32 v23, v52;
	v50 =	vand.u32 $0xFFFFFF80, v12;
	v20 =	vor.u32 v46, v39;
	[tilespmem:v41+s9+$0x0] =	vst.idx.msk $0xffff, v18  }
0x144: {  	v52 =	vand.u32 $0x7F, v12;
	[tilespmem:v37+s8+$0x0] =	vst.idx.msk $0xffff, v47;
	(erf) = vrcp.f32 v19;
	v19 =	vadd.s32 v3, v50  }
0x145: {  	v56 =	vand.u32 $0x7F, v14;
	v54 =	vand.u32 $0xFFFFFF80, v14;
	[tilespmem:v62+s9+$0x0] =	vst.idx.msk $0xffff, v17;
	v19 =	vor.u32 v52, v19  }
0x146: {  	v53 =	vmul.f32 v23, v53;
	v26 =	vadd.s32 v3, v54;
	v55 =	vor.u32 $0x5, v3;
	[tilespmem:v63+s8+$0x0] =	vst.idx.msk $0xffff, v49  }
0x147: {  	v60 =	vand.u32 $0x7F, v13;
	v58 =	vand.u32 $0xFFFFFF80, v13;
	v26 =	vor.u32 v56, v26;
	[tilespmem:v48+s9+$0x0] =	vst.idx.msk $0xffff, v16  }
0x148: {  	v59 =	vor.u32 $0x6, v3;
	v29 =	vadd.s32 v3, v58;
	v57 =	vmul.f32 v23, v34;
	[tilespmem:v20+s8+$0x0] =	vst.idx.msk $0xffff, v53  }
0x149: {  	v61 =	vmul.f32 v23, v35;
	v62 =	vand.u32 $0xFFFFFF80, v11;
	v20 =	vor.u32 v60, v29;
	[tilespmem:v51+s9+$0x0] =	vst.idx.msk $0xffff, v15  }
0x14a: {  	v63 =	vand.u32 $0x7F, v11;
	v29 =	vadd.s32 v2, v62;
	v3 =	vor.u32 $0x7, v3;
	[tilespmem:v19+s8+$0x0] =	vst.idx.msk $0xffff, v57  }
0x14b: {  	v31 =	vand.u32 $0xFFFFFF80, v10;
	v30 =	vor.u32 v63, v29;
	[tilespmem:v55+s9+$0x0] =	vst.idx.msk $0xffff, v12  }
0x14c: {  	v32 =	vmul.f32 v23, v36;
	v34 =	vand.u32 $0x7F, v10;
	v16 =	vadd.s32 v2, v31;
	[tilespmem:v26+s8+$0x0] =	vst.idx.msk $0xffff, v61  }
0x14d: {  	v36 =	vand.u32 $0xFFFFFF80, v9;
	v39 =	vand.u32 $0x7F, v9;
	v16 =	vor.u32 v34, v16;
	v33 =	vpop (erf);
	[tilespmem:v59+s9+$0x0] =	vst.idx.msk $0xffff, v14  }
0x14e: {  	v37 =	vor.u32 $0x1, v2;
	v17 =	vadd.s32 v2, v36;
	v35 =	vmul.f32 v33, v25;
	[tilespmem:v20+s8+$0x0] =	vst.idx.msk $0xffff, v32  }
0x14f: {  	v43 =	vand.u32 $0xFFFFFF80, v8;
	v44 =	vor.u32 $0x2, v2;
	v41 =	vor.u32 v39, v17;
	[tilespmem:v3+s9+$0x0] =	vst.idx.msk $0xffff, v13  }
0x150: {  	v45 =	vand.u32 $0x7F, v8;
	v17 =	vadd.s32 v2, v43;
	v3 =	vmul.f32 v33, v22;
	[tilespmem:v30+s8+$0x0] =	vst.idx.msk $0xffff, v35  }
0x151: {  	v47 =	vand.u32 $0xFFFFFF80, v7;
	v48 =	vand.u32 $0x7F, v7;
	v14 =	vor.u32 v45, v17;
	[tilespmem:v2+s9+$0x0] =	vst.idx.msk $0xffff, v11  }
0x152: {  	v17 =	vadd.s32 v2, v47;
	v46 =	vmul.f32 v33, v24;
	[tilespmem:v16+s8+$0x0] =	vst.idx.msk $0xffff, v3;
	v3 =	vor.u32 $0x3, v2  }
0x153: {  	v53 =	vand.u32 $0x7F, v5;
	v51 =	vand.u32 $0xFFFFFF80, v5;
	v50 =	vor.u32 v48, v17;
	[tilespmem:v37+s9+$0x0] =	vst.idx.msk $0xffff, v10  }
0x154: {  	v52 =	vor.u32 $0x4, v2;
	v49 =	vmul.f32 v33, v21;
	v16 =	vadd.s32 v2, v51;
	[tilespmem:v41+s8+$0x0] =	vst.idx.msk $0xffff, v46  }
0x155: {  	v58 =	vand.u32 $0x7F, v6;
	v56 =	vand.u32 $0xFFFFFF80, v6;
	v55 =	vor.u32 v53, v16;
	[tilespmem:v44+s9+$0x0] =	vst.idx.msk $0xffff, v9  }
0x156: {  	v57 =	vor.u32 $0x5, v2;
	v54 =	vmul.f32 v33, v28;
	v13 =	vadd.s32 v2, v56;
	[tilespmem:v14+s8+$0x0] =	vst.idx.msk $0xffff, v49  }
0x157: {  	v60 =	vand.u32 $0xFFFFFF80, v4;
	v62 =	vand.u32 $0x7F, v4;
	v59 =	vor.u32 v58, v13;
	[tilespmem:v3+s9+$0x0] =	vst.idx.msk $0xffff, v8  }
0x158: {  	v61 =	vor.u32 $0x6, v2;
	v13 =	vadd.s32 v2, v60;
	v3 =	vmul.f32 v33, v38;
	[tilespmem:v50+s8+$0x0] =	vst.idx.msk $0xffff, v54  }
0x159: {  	s12 =	sadd.s32 $0x1, s12;
	v63 =	vor.u32 v62, v13;
	[tilespmem:v52+s9+$0x0] =	vst.idx.msk $0xffff, v7  }
0x15a: {  	p0 =	sne.s32 s12, $0x8;
	v2 =	vor.u32 $0x7, v2;
	[tilespmem:v55+s8+$0x0] =	vst.idx.msk $0xffff, v3;
	v3 =	vmul.f32 v33, v40  }
.Ltmp2:
0x15b: {  	[tilespmem:v57+s9+$0x0] =	vst.idx.msk $0xffff, v5;
	(pc) =	sbr.rel @p0 .LBB2_4-.Ltmp2, $4  }
0x15c: {  	[tilespmem:v59+s8+$0x0] =	vst.idx.msk $0xffff, v3;
	v3 =	vmul.f32 v33, v42  }
0x15d: {  	[tilespmem:v61+s9+$0x0] =	vst.idx.msk $0xffff, v6  }
0x15e: {  	[tilespmem:v63+s8+$0x0] =	vst.idx.msk $0xffff, v3  }
0x15f: {  	[tilespmem:v2+s9+$0x0] =	vst.idx.msk $0xffff, v4  }
0x160: {  	[hbm4b:s4+s2] =	stream.linear.scatter [tilespmem:s8], [sflag:$0x2], $0x8000, $0x38;
	[tilespmem:$0x18000] =	vst v63  }
0x161: {  	s11 =	sadd.s32 $0x1, s11;
	_ =	swait.ge [sflag:s10], $0x8000  }
0x162: {  	p0 =	sne.s32 s11, s6;
	[sflag:s10] =	ssyncset.done $0x0  }
.Ltmp3:
0x163: {  	[sflag:s10] =	ssyncadd.s32 $0xFFFF8000;
	(pc) =	sbr.rel @p0 .LBB2_1-.Ltmp3, $4  }
0x164: {  	[hbm4b:s5+s2] =	stream.linear.scatter [tilespmem:s9], [sflag:$0x2], $0x8000, $0x38;
	[tilespmem:$0x18000] =	vst v63  }
0x165: {  	_ =	swait.ge [sflag:s10], $0x8000  }
0x166: {  	[sflag:s10] =	ssyncset.done $0x0  }
0x167: {  	[sflag:s10] =	ssyncadd.s32 $0xFFFF8000  }
0x168: {  	_ =	sfence.sel $0x180000  }
0x169: {  	[bflag:$0x0] =	sbarrier.arrive $0xFFFF  }
0x16a: {  	p0 =	sne.s32 s1, $0x0;
	_ =	strace $0x90000047  }
0x16b: {  	s0 =	sadd.s32 @!p0 $0x100000, s0;
	[bflag:$0x2] =	sbarrier.arrive $0xFFFF  }
0x16c: {  	[sflag:s0] =	ssyncadd.tile.s32 @!p0 $0x1;
	_ =	shalt  }
.Lfunc_end2:
_tile_overlayer_lowered:
.L_overlay_start_2:
0x16d: {  	(tag) =	ssettag $0x2  }
0x16e: {  	s0 =	rddreg [dreg:$0x0];
	s2 =	stileid.u32  }
0x16f: {  	s1 =	rddreg [dreg:$0x1];
	p0 =	sne.s32 s2, $0x0  }
0x170: {  	s3 =	rddreg [dreg:$0x2];
	[bflag:$0x3] =	sbarrier.arrive $0xFFFF;
	s2 =	simm.s32 @!p0 $0x1C02  }
0x171: {  	[timem:s3], [sflag:s2] =	dma.local @!p0 [hbm:s0], s1  }
0x172: {  	s0 =	simm.s32 @!p0 $0x2  }
0x173: {  	_ =	swait.ge @!p0 [sflag:s0], s1  }
0x174: {  	s1 =	ssub.s32 @!p0 $0x0, s1;
	[sflag:s0] =	ssyncset.done @!p0 $0x0  }
0x175: {  	[sflag:s0] =	ssyncadd.s32 @!p0 s1  }
0x176: {  	[bflag:$0x3] =	sbarrier.arrive $0xFFFF  }
0x177: {  	_ =	shalt  }

</sc_bundles>
